<compile_context>
chip_gen: v7x
topology: tpu7x:2x2x1
jax: 0.10.2.dev20260603
libtpu: 0.0.44.dev20260713+nightly
codegen_flags: <defaults>
</compile_context>

<pallas_src>
import functools

import jax
import jax.numpy as jnp
from jax import lax
from jax.experimental import pallas as pl
from jax.experimental.pallas import tpu as pltpu
from jax.experimental.pallas import tpu_sc as plsc

T = 2048
D = 1024
DFF = 512
E = 8
B = 256
NSLOT = 2 * T + 16 * B
NBLK = NSLOT // B
NW = 32
TPW = T // NW


def _bank_topk(logits, brow):
    m = jnp.max(logits, axis=1, keepdims=True)
    ex = jnp.exp(logits - m)
    s = ex / jnp.sum(ex, axis=1, keepdims=True)
    b = s + brow
    iota = lax.broadcasted_iota(jnp.int32, (T, E), 1)
    m1 = jnp.max(b, axis=1, keepdims=True)
    idx1 = jnp.min(jnp.where(b == m1, iota, E), axis=1, keepdims=True)
    bm = jnp.where(iota == idx1, -jnp.inf, b)
    m2 = jnp.max(bm, axis=1, keepdims=True)
    idx2 = jnp.min(jnp.where(bm == m2, iota, E), axis=1, keepdims=True)
    w1 = jnp.sum(jnp.where(iota == idx1, s, 0.0), axis=1, keepdims=True)
    w2 = jnp.sum(jnp.where(iota == idx2, s, 0.0), axis=1, keepdims=True)
    ws = w1 + w2
    return idx1, idx2, w1 / ws, w2 / ws


def _plan_body(xb_ref, maskf_ref, gates_ref, bias_ref,
               p0_ref, p1_ref, w0_ref, w1_ref, be_ref):
    xb = xb_ref[...]
    logits = lax.dot_general(
        xb, gates_ref[...].astype(jnp.bfloat16), (((1,), (0,)), ((), ())),
        preferred_element_type=jnp.float32)
    ti1, ti2, tw1, tw2 = _bank_topk(logits[:, :E], bias_ref[0:1, :])
    vi1, vi2, vw1, vw2 = _bank_topk(logits[:, E:], bias_ref[1:2, :])
    mask = maskf_ref[...] > 0.5
    g1 = jnp.where(mask, vi1 + E, ti1)
    g2 = jnp.where(mask, vi2 + E, ti2)
    w0_ref[...] = jnp.where(mask, vw1, tw1)
    w1_ref[...] = jnp.where(mask, vw2, tw2)

    CH = 512
    iota16 = lax.broadcasted_iota(jnp.int32, (CH, 16), 1)
    r = lax.broadcasted_iota(jnp.int32, (CH, CH), 0)
    c = lax.broadcasted_iota(jnp.int32, (CH, CH), 1)
    lstrict = (c < r).astype(jnp.bfloat16)
    carry = jnp.zeros((1, 16), jnp.float32)
    pfx_chunks = []
    oh_chunks = []
    for ci in range(T // CH):
        sl = slice(ci * CH, (ci + 1) * CH)
        oh = ((iota16 == g1[sl]) .astype(jnp.float32)
              + (iota16 == g2[sl]).astype(jnp.float32))
        pfx = lax.dot_general(lstrict, oh.astype(jnp.bfloat16),
                              (((1,), (0,)), ((), ())),
                              preferred_element_type=jnp.float32)
        pfx_chunks.append(pfx + carry)
        oh_chunks.append(oh)
        carry = carry + jnp.sum(oh, axis=0, keepdims=True)

    cnt = carry
    pc = jnp.ceil(cnt / B) * B
    ir = lax.broadcasted_iota(jnp.int32, (16, 16), 0)
    ic = lax.broadcasted_iota(jnp.int32, (16, 16), 1)
    mtri = (ir < ic).astype(jnp.bfloat16)
    off = lax.dot_general(pc.astype(jnp.bfloat16), mtri,
                          (((1,), (0,)), ((), ())),
                          preferred_element_type=jnp.float32)

    for ci in range(T // CH):
        sl = slice(ci * CH, (ci + 1) * CH)
        base = off + pfx_chunks[ci]
        i16 = lax.broadcasted_iota(jnp.int32, (CH, 16), 1)
        p0 = jnp.sum(jnp.where(i16 == g1[sl], base, 0.0), axis=1,
                     keepdims=True)
        p1 = jnp.sum(jnp.where(i16 == g2[sl], base + (g1[sl] == g2[sl]),
                               0.0), axis=1, keepdims=True)
        p0_ref[ci * CH:(ci + 1) * CH, :] = p0.astype(jnp.int32)
        p1_ref[ci * CH:(ci + 1) * CH, :] = p1.astype(jnp.int32)

    bi = lax.broadcasted_iota(jnp.int32, (1, 128), 1)
    s = (bi * B).astype(jnp.float32)
    acc = jnp.zeros((1, 128), jnp.float32)
    for e in range(16):
        acc = acc + (lax.slice(off, (0, e), (1, e + 1)) <= s).astype(
            jnp.float32)
    used = (lax.slice(off, (0, 15), (1, 16))
            + lax.slice(pc, (0, 15), (1, 16))) / B
    be = jnp.where(s / B < used, acc - 1.0, 16.0)
    be_ref[...] = be.astype(jnp.int32)


def _plan_call(xb, maskf, gates, bias):
    return pl.pallas_call(
        _plan_body,
        out_shape=[
            jax.ShapeDtypeStruct((T, 1), jnp.int32),
            jax.ShapeDtypeStruct((T, 1), jnp.int32),
            jax.ShapeDtypeStruct((T, 1), jnp.float32),
            jax.ShapeDtypeStruct((T, 1), jnp.float32),
            jax.ShapeDtypeStruct((1, 128), jnp.int32),
        ],
    )(xb, maskf, gates, bias)


def _sc_scatter_call(xf, p0, p1):
    mesh = plsc.VectorSubcoreMesh(core_axis_name="c", subcore_axis_name="s")

    @functools.partial(
        pl.kernel, mesh=mesh,
        out_type=jax.ShapeDtypeStruct((NSLOT, D), jnp.float32),
        scratch_types=[
            pltpu.VMEM((TPW,), jnp.int32),
            pltpu.VMEM((TPW,), jnp.int32),
            pltpu.VMEM((TPW, D), jnp.float32),
            pltpu.SemaphoreType.DMA,
        ],
    )
    def k(xb_hbm, p0_hbm, p1_hbm, xs_hbm, i0_v, i1_v, rows_v, sem):
        wid = lax.axis_index("s") * 2 + lax.axis_index("c")
        base = wid * TPW
        pltpu.sync_copy(p0_hbm.at[pl.ds(base, TPW)], i0_v)
        pltpu.sync_copy(p1_hbm.at[pl.ds(base, TPW)], i1_v)
        pltpu.sync_copy(xb_hbm.at[pl.ds(base, TPW)], rows_v)
        pltpu.async_copy(rows_v, xs_hbm.at[i0_v], sem).wait()
        pltpu.async_copy(rows_v, xs_hbm.at[i1_v], sem).wait()

    return k(xf, p0, p1)


def _sc_gather_call(y, p0, p1):
    mesh = plsc.VectorSubcoreMesh(core_axis_name="c", subcore_axis_name="s")

    @functools.partial(
        pl.kernel, mesh=mesh,
        out_type=[jax.ShapeDtypeStruct((T, D), jnp.float32),
                  jax.ShapeDtypeStruct((T, D), jnp.float32)],
        scratch_types=[
            pltpu.VMEM((TPW,), jnp.int32),
            pltpu.VMEM((TPW, D), jnp.float32),
            pltpu.SemaphoreType.DMA,
        ],
    )
    def k(y_hbm, p0_hbm, p1_hbm, y0_hbm, y1_hbm, idx_v, rows_v, sem):
        wid = lax.axis_index("s") * 2 + lax.axis_index("c")
        base = wid * TPW
        pltpu.sync_copy(p0_hbm.at[pl.ds(base, TPW)], idx_v)
        pltpu.async_copy(y_hbm.at[idx_v], rows_v, sem).wait()
        pltpu.sync_copy(rows_v, y0_hbm.at[pl.ds(base, TPW)])
        pltpu.sync_copy(p1_hbm.at[pl.ds(base, TPW)], idx_v)
        pltpu.async_copy(y_hbm.at[idx_v], rows_v, sem).wait()
        pltpu.sync_copy(rows_v, y1_hbm.at[pl.ds(base, TPW)])

    return k(y, p0, p1)


def _mlp_f32w(xc, wg, wu, wd):
    g = lax.dot_general(xc, wg.astype(jnp.bfloat16), (((1,), (0,)), ((), ())),
                        preferred_element_type=jnp.float32)
    u = lax.dot_general(xc, wu.astype(jnp.bfloat16), (((1,), (0,)), ((), ())),
                        preferred_element_type=jnp.float32)
    a = (g * jax.nn.sigmoid(g)) * u
    return lax.dot_general(a.astype(jnp.bfloat16), wd.astype(jnp.bfloat16),
                           (((1,), (0,)), ((), ())),
                           preferred_element_type=jnp.float32)


def _gmm_body(be_sref, xs_ref,
              twg_ref, twu_ref, twd_ref, vwg_ref, vwu_ref, vwd_ref,
              y_ref):
    i = pl.program_id(0)
    be = be_sref[0, i]

    xc = xs_ref[...].astype(jnp.bfloat16)

    @pl.when(be < E)
    def _():
        y_ref[...] = _mlp_f32w(xc, twg_ref[0], twu_ref[0], twd_ref[0])

    @pl.when((be >= E) & (be < 2 * E))
    def _():
        y_ref[...] = _mlp_f32w(xc, vwg_ref[0], vwu_ref[0], vwd_ref[0])


def _gmm_call(be, xs, twg, twu, twd, vwg, vwu, vwd):
    grid_spec = pltpu.PrefetchScalarGridSpec(
        num_scalar_prefetch=1,
        grid=(NBLK,),
        in_specs=[
            pl.BlockSpec((B, D), lambda i, be_s: (i, 0)),
            pl.BlockSpec((1, D, DFF),
                         lambda i, be_s: (jnp.clip(be_s[0, i], 0, E - 1), 0, 0)),
            pl.BlockSpec((1, D, DFF),
                         lambda i, be_s: (jnp.clip(be_s[0, i], 0, E - 1), 0, 0)),
            pl.BlockSpec((1, DFF, D),
                         lambda i, be_s: (jnp.clip(be_s[0, i], 0, E - 1), 0, 0)),
            pl.BlockSpec((1, D, DFF),
                         lambda i, be_s: (jnp.clip(be_s[0, i] - E, 0, E - 1), 0, 0)),
            pl.BlockSpec((1, D, DFF),
                         lambda i, be_s: (jnp.clip(be_s[0, i] - E, 0, E - 1), 0, 0)),
            pl.BlockSpec((1, DFF, D),
                         lambda i, be_s: (jnp.clip(be_s[0, i] - E, 0, E - 1), 0, 0)),
        ],
        out_specs=pl.BlockSpec((B, D), lambda i, be_s: (i, 0)),
    )
    return pl.pallas_call(
        _gmm_body,
        grid_spec=grid_spec,
        out_shape=jax.ShapeDtypeStruct((NSLOT, D), jnp.float32),
        compiler_params=pltpu.CompilerParams(
            dimension_semantics=("arbitrary",)),
    )(be, xs, twg, twu, twd, vwg, vwu, vwd)


def _shared_body(xb_ref, swg_ref, swu_ref, swd_ref, out_ref):
    out_ref[...] = _mlp_f32w(xb_ref[...], swg_ref[...], swu_ref[...],
                             swd_ref[...])


def _shared_call(xb, swg, swu, swd):
    return pl.pallas_call(
        _shared_body,
        grid=(4,),
        in_specs=[
            pl.BlockSpec((T // 4, D), lambda i: (i, 0)),
            pl.BlockSpec((D, DFF), lambda i: (0, 0)),
            pl.BlockSpec((D, DFF), lambda i: (0, 0)),
            pl.BlockSpec((DFF, D), lambda i: (0, 0)),
        ],
        out_specs=pl.BlockSpec((T // 4, D), lambda i: (i, 0)),
        out_shape=jax.ShapeDtypeStruct((T, D), jnp.float32),
        compiler_params=pltpu.CompilerParams(
            dimension_semantics=("arbitrary",)),
    )(xb, swg, swu, swd)


def _combine_body(y0_ref, y1_ref, w0_ref, w1_ref, sh_ref, out_ref):
    out_ref[...] = (w0_ref[...] * y0_ref[...] + w1_ref[...] * y1_ref[...]
                    + sh_ref[...])


def _combine_call(y0, y1, w0, w1, sh):
    C = T // 4
    return pl.pallas_call(
        _combine_body,
        grid=(4,),
        in_specs=[
            pl.BlockSpec((C, D), lambda i: (i, 0)),
            pl.BlockSpec((C, D), lambda i: (i, 0)),
            pl.BlockSpec((C, 1), lambda i: (i, 0)),
            pl.BlockSpec((C, 1), lambda i: (i, 0)),
            pl.BlockSpec((C, D), lambda i: (i, 0)),
        ],
        out_specs=pl.BlockSpec((C, D), lambda i: (i, 0)),
        out_shape=jax.ShapeDtypeStruct((T, D), jnp.float32),
        compiler_params=pltpu.CompilerParams(
            dimension_semantics=("arbitrary",)),
    )(y0, y1, w0, w1, sh)


def kernel(hidden_states, visual_token_mask, text_gate_w, vision_gate_w,
           e_score_correction_bias, text_wg, text_wu, text_wd,
           vision_wg, vision_wu, vision_wd, shared_wg, shared_wu, shared_wd):
    orig_shape = hidden_states.shape
    xb = hidden_states.reshape(T, D).astype(jnp.bfloat16)
    maskf = visual_token_mask.reshape(T, 1).astype(jnp.float32)
    gates = jnp.concatenate([text_gate_w, vision_gate_w], axis=1)

    p0, p1, w0, w1, be = _plan_call(xb, maskf, gates, e_score_correction_bias)
    p0f = p0.reshape(T)
    p1f = p1.reshape(T)

    xf = hidden_states.reshape(T, D)
    xs = _sc_scatter_call(xf, p0f, p1f)
    sh = _shared_call(xb, shared_wg, shared_wu, shared_wd)
    y = _gmm_call(be.reshape(1, 128), xs,
                  text_wg, text_wu, text_wd, vision_wg, vision_wu, vision_wd)
    y0, y1 = _sc_gather_call(y, p0f, p1f)
    out = _combine_call(y0, y1, w0, w1, sh)
    return out.reshape(orig_shape)

# --- scband reference (transcript-rebuilt; emitter-appended) ---
"""Pipeline reference for scband-ernie4-5-vlmoe-mo-e-39616778338726 (READ-ONLY COPY).

The authoritative reference and input builder live on the scoring server;
editing this copy changes nothing except your own understanding.
"""

import jax, jax.numpy as jnp
import numpy as np

E = 8
K = 2
D = 1024
DFF = 512
T = 2048


def setup_inputs(seed: int = 0) -> dict:
    key = jax.random.key(seed)
    ks = jax.random.split(key, 16)
    inp = {}
    inp['hidden_states'] = jax.random.normal(ks[0], (1, T, D), dtype=jnp.float32)
    inp['visual_token_mask'] = jax.random.randint(ks[1], (T, 1), 0, 2) > 0
    # learned parameters
    inp['text_gate_w'] = jax.random.normal(ks[2], (D, E), dtype=jnp.float32) * 0.02
    inp['vision_gate_w'] = jax.random.normal(ks[3], (D, E), dtype=jnp.float32) * 0.02
    inp['e_score_correction_bias'] = jax.random.normal(ks[4], (2, E), dtype=jnp.float32) * 0.02
    inp['text_wg'] = jax.random.normal(ks[5], (E, D, DFF), dtype=jnp.float32) * 0.02
    inp['text_wu'] = jax.random.normal(ks[6], (E, D, DFF), dtype=jnp.float32) * 0.02
    inp['text_wd'] = jax.random.normal(ks[7], (E, DFF, D), dtype=jnp.float32) * 0.02
    inp['vision_wg'] = jax.random.normal(ks[8], (E, D, DFF), dtype=jnp.float32) * 0.02
    inp['vision_wu'] = jax.random.normal(ks[9], (E, D, DFF), dtype=jnp.float32) * 0.02
    inp['vision_wd'] = jax.random.normal(ks[10], (E, DFF, D), dtype=jnp.float32) * 0.02
    inp['shared_wg'] = jax.random.normal(ks[11], (D, DFF), dtype=jnp.float32) * 0.02
    inp['shared_wu'] = jax.random.normal(ks[12], (D, DFF), dtype=jnp.float32) * 0.02
    inp['shared_wd'] = jax.random.normal(ks[13], (DFF, D), dtype=jnp.float32) * 0.02
    return inp


def _mlp(x, wg, wu, wd):
    return (jax.nn.silu(x @ wg) * (x @ wu)) @ wd


def _moe(x, gate_w, bias, wg, wu, wd):
    # ReplicatedLinear gate in float32
    logits = x.astype(jnp.float32) @ gate_w
    scores = jax.nn.softmax(logits, axis=-1)
    # e_score_correction_bias biases expert SELECTION only
    biased = scores + bias[None, :]
    _, idx = jax.lax.top_k(biased, K)
    w = jnp.take_along_axis(scores, idx, axis=-1)
    # renormalize=True
    w = w / jnp.sum(w, axis=-1, keepdims=True)
    out = jnp.zeros_like(x)
    for e in range(E):
        h = _mlp(x, wg[e], wu[e], wd[e])
        we = jnp.sum(jnp.where(idx == e, w, 0.0), axis=-1)
        out = out + we[:, None].astype(x.dtype) * h
    return out


def reference(hidden_states, visual_token_mask, text_gate_w, vision_gate_w, e_score_correction_bias, text_wg, text_wu, text_wd, vision_wg, vision_wu, vision_wd, shared_wg, shared_wu, shared_wd):
    orig_shape = hidden_states.shape
    x = hidden_states.reshape(-1, orig_shape[-1])
    # mixed text/vision token path: each token is routed to either the
    # text expert bank or the vision expert bank based on the mask.
    text_out = _moe(x, text_gate_w, e_score_correction_bias[0], text_wg, text_wu, text_wd)
    vision_out = _moe(x, vision_gate_w, e_score_correction_bias[1], vision_wg, vision_wu, vision_wd)
    shared_out = _mlp(x, shared_wg, shared_wu, shared_wd)
    mask = visual_token_mask.reshape(-1, 1)
    experts_out = jnp.where(mask, vision_out, text_out)
    final = shared_out + experts_out
    return final.reshape(orig_shape)

if __name__ == "__main__":
    import jax
    _d = setup_inputs()
    print(jax.jit(kernel)(*tuple(_d.values())))

</pallas_src>

<mosaic_0001>
#map = affine_map<(d0, d1) -> (0, 0)>
#map1 = affine_map<(d0, d1) -> (0)>
module attributes {stable_mosaic.version = 14 : i64} {
  func.func @k(%arg0: i32, %arg1: i32, %arg2: memref<2048x1024xf32, #tpu.memory_space<hbm>>, %arg3: memref<2048xi32, #tpu.memory_space<hbm>>, %arg4: memref<2048xi32, #tpu.memory_space<hbm>>, %arg5: memref<8192x1024xf32, #tpu.memory_space<hbm>>, %arg6: memref<64xi32, #tpu.memory_space<vmem>>, %arg7: memref<64xi32, #tpu.memory_space<vmem>>, %arg8: memref<64x1024xf32, #tpu.memory_space<vmem>>, %arg9: memref<!tpu.dma_semaphore, #tpu.memory_space<semaphore_mem>>) attributes {dimension_semantics = [#tpu.dimension_semantics<core_parallel>, #tpu.dimension_semantics<subcore_parallel>], iteration_bounds = array<i64: 2, 16>, scalar_prefetch = 0 : i64, scratch_operands = 4 : i64, tpu.core_type = #tpu.core_type<sc_vector_subcore>, window_params = [{transform_indices = #map}, {transform_indices = #map1}, {transform_indices = #map1}, {transform_indices = #map}]} {
    %mul3A = arith.constant 2 : i32
    %mul3A_0 = arith.muli %arg1, %mul3A : i32
    %add3A = arith.addi %mul3A_0, %arg0 : i32
    %mul3A_1 = arith.constant 64 : i32
    %mul3A_2 = arith.muli %add3A, %mul3A_1 : i32
    "tpu.region"() ({
      %run_scoped3A = tpu.sem_alloc : memref<!tpu.dma_semaphore, #tpu.memory_space<semaphore_mem>>
      %dma_start3A_13 = tpu.memref_slice %arg3[%mul3A_2] : memref<2048xi32, #tpu.memory_space<hbm>> -> memref<64xi32, #tpu.memory_space<hbm>>
      %dma_start3A_14 = tpu.memref_slice %arg3[%mul3A_2] : memref<2048xi32, #tpu.memory_space<hbm>> -> memref<64xi32, #tpu.memory_space<hbm>>
      tpu.enqueue_dma source(%dma_start3A_14 : memref<64xi32, #tpu.memory_space<hbm>>) target(%arg6 : memref<64xi32, #tpu.memory_space<vmem>>) target_semaphore(%run_scoped3A : memref<!tpu.dma_semaphore, #tpu.memory_space<semaphore_mem>>)
      %dma_wait3A_15 = tpu.memref_slice %arg3[%mul3A_2] : memref<2048xi32, #tpu.memory_space<hbm>> -> memref<64xi32, #tpu.memory_space<hbm>>
      %dma_wait3A_16 = tpu.memref_slice %arg3[%mul3A_2] : memref<2048xi32, #tpu.memory_space<hbm>> -> memref<64xi32, #tpu.memory_space<hbm>>
      tpu.wait_dma2 semaphore(%run_scoped3A : memref<!tpu.dma_semaphore, #tpu.memory_space<semaphore_mem>>) src(%dma_wait3A_16 : memref<64xi32, #tpu.memory_space<hbm>>) dst(%arg6 : memref<64xi32, #tpu.memory_space<vmem>>)
      tpu.yield
    }) : () -> ()
    "tpu.region"() ({
      %run_scoped3A = tpu.sem_alloc : memref<!tpu.dma_semaphore, #tpu.memory_space<semaphore_mem>>
      %dma_start3A_13 = tpu.memref_slice %arg4[%mul3A_2] : memref<2048xi32, #tpu.memory_space<hbm>> -> memref<64xi32, #tpu.memory_space<hbm>>
      %dma_start3A_14 = tpu.memref_slice %arg4[%mul3A_2] : memref<2048xi32, #tpu.memory_space<hbm>> -> memref<64xi32, #tpu.memory_space<hbm>>
      tpu.enqueue_dma source(%dma_start3A_14 : memref<64xi32, #tpu.memory_space<hbm>>) target(%arg7 : memref<64xi32, #tpu.memory_space<vmem>>) target_semaphore(%run_scoped3A : memref<!tpu.dma_semaphore, #tpu.memory_space<semaphore_mem>>)
      %dma_wait3A_15 = tpu.memref_slice %arg4[%mul3A_2] : memref<2048xi32, #tpu.memory_space<hbm>> -> memref<64xi32, #tpu.memory_space<hbm>>
      %dma_wait3A_16 = tpu.memref_slice %arg4[%mul3A_2] : memref<2048xi32, #tpu.memory_space<hbm>> -> memref<64xi32, #tpu.memory_space<hbm>>
      tpu.wait_dma2 semaphore(%run_scoped3A : memref<!tpu.dma_semaphore, #tpu.memory_space<semaphore_mem>>) src(%dma_wait3A_16 : memref<64xi32, #tpu.memory_space<hbm>>) dst(%arg7 : memref<64xi32, #tpu.memory_space<vmem>>)
      tpu.yield
    }) : () -> ()
    "tpu.region"() ({
      %run_scoped3A = tpu.sem_alloc : memref<!tpu.dma_semaphore, #tpu.memory_space<semaphore_mem>>
      %dma_start3A_13 = arith.constant 0 : i32
      %dma_start3A_14 = tpu.memref_slice %arg2[%mul3A_2, %dma_start3A_13] : memref<2048x1024xf32, #tpu.memory_space<hbm>> -> memref<64x1024xf32, #tpu.memory_space<hbm>>
      %dma_start3A_15 = arith.constant 0 : i32
      %dma_start3A_16 = tpu.memref_slice %arg2[%mul3A_2, %dma_start3A_15] : memref<2048x1024xf32, #tpu.memory_space<hbm>> -> memref<64x1024xf32, #tpu.memory_space<hbm>>
      tpu.enqueue_dma source(%dma_start3A_16 : memref<64x1024xf32, #tpu.memory_space<hbm>>) target(%arg8 : memref<64x1024xf32, #tpu.memory_space<vmem>>) target_semaphore(%run_scoped3A : memref<!tpu.dma_semaphore, #tpu.memory_space<semaphore_mem>>)
      %dma_wait3A_17 = arith.constant 0 : i32
      %dma_wait3A_18 = tpu.memref_slice %arg2[%mul3A_2, %dma_wait3A_17] : memref<2048x1024xf32, #tpu.memory_space<hbm>> -> memref<64x1024xf32, #tpu.memory_space<hbm>>
      %dma_wait3A_19 = arith.constant 0 : i32
      %dma_wait3A_20 = tpu.memref_slice %arg2[%mul3A_2, %dma_wait3A_19] : memref<2048x1024xf32, #tpu.memory_space<hbm>> -> memref<64x1024xf32, #tpu.memory_space<hbm>>
      tpu.wait_dma2 semaphore(%run_scoped3A : memref<!tpu.dma_semaphore, #tpu.memory_space<semaphore_mem>>) src(%dma_wait3A_20 : memref<64x1024xf32, #tpu.memory_space<hbm>>) dst(%arg8 : memref<64x1024xf32, #tpu.memory_space<vmem>>)
      tpu.yield
    }) : () -> ()
    %dma_start3A = arith.constant 0 : i32
    %dma_start3A_3 = arith.constant 0 : i32
    %dma_start3A_4 = tpu.memref_slice %arg5[%dma_start3A, %dma_start3A_3] : memref<8192x1024xf32, #tpu.memory_space<hbm>> -> memref<8192x1024xf32, #tpu.memory_space<hbm>>
    tpu.enqueue_indirect_dma source(%arg8 : memref<64x1024xf32, #tpu.memory_space<vmem>>) target(%dma_start3A_4 : memref<8192x1024xf32, #tpu.memory_space<hbm>>) offsets(%arg6 : memref<64xi32, #tpu.memory_space<vmem>>) semaphore(%arg9 : memref<!tpu.dma_semaphore, #tpu.memory_space<semaphore_mem>>)
    %dma_wait3A = arith.constant 0 : i32
    %dma_wait3A_5 = arith.constant 0 : i32
    %dma_wait3A_6 = tpu.memref_slice %arg5[%dma_wait3A, %dma_wait3A_5] : memref<8192x1024xf32, #tpu.memory_space<hbm>> -> memref<8192x1024xf32, #tpu.memory_space<hbm>>
    tpu.wait_indirect_dma semaphore(%arg9 : memref<!tpu.dma_semaphore, #tpu.memory_space<semaphore_mem>>) src(%arg8 : memref<64x1024xf32, #tpu.memory_space<vmem>>) dst(%dma_wait3A_6 : memref<8192x1024xf32, #tpu.memory_space<hbm>>)
    %dma_start3A_7 = arith.constant 0 : i32
    %dma_start3A_8 = arith.constant 0 : i32
    %dma_start3A_9 = tpu.memref_slice %arg5[%dma_start3A_7, %dma_start3A_8] : memref<8192x1024xf32, #tpu.memory_space<hbm>> -> memref<8192x1024xf32, #tpu.memory_space<hbm>>
    tpu.enqueue_indirect_dma source(%arg8 : memref<64x1024xf32, #tpu.memory_space<vmem>>) target(%dma_start3A_9 : memref<8192x1024xf32, #tpu.memory_space<hbm>>) offsets(%arg7 : memref<64xi32, #tpu.memory_space<vmem>>) semaphore(%arg9 : memref<!tpu.dma_semaphore, #tpu.memory_space<semaphore_mem>>)
    %dma_wait3A_10 = arith.constant 0 : i32
    %dma_wait3A_11 = arith.constant 0 : i32
    %dma_wait3A_12 = tpu.memref_slice %arg5[%dma_wait3A_10, %dma_wait3A_11] : memref<8192x1024xf32, #tpu.memory_space<hbm>> -> memref<8192x1024xf32, #tpu.memory_space<hbm>>
    tpu.wait_indirect_dma semaphore(%arg9 : memref<!tpu.dma_semaphore, #tpu.memory_space<semaphore_mem>>) src(%arg8 : memref<64x1024xf32, #tpu.memory_space<vmem>>) dst(%dma_wait3A_12 : memref<8192x1024xf32, #tpu.memory_space<hbm>>)
    return
  }
}

#map = affine_map<(d0, d1) -> (0, 0)>
#map1 = affine_map<(d0, d1) -> (0)>
module attributes {stable_mosaic.version = 14 : i64} {
  func.func @k(%arg0: i32, %arg1: i32, %arg2: memref<8192x1024xf32, #tpu.memory_space<hbm>>, %arg3: memref<2048xi32, #tpu.memory_space<hbm>>, %arg4: memref<2048xi32, #tpu.memory_space<hbm>>, %arg5: memref<2048x1024xf32, #tpu.memory_space<hbm>>, %arg6: memref<2048x1024xf32, #tpu.memory_space<hbm>>, %arg7: memref<64xi32, #tpu.memory_space<vmem>>, %arg8: memref<64x1024xf32, #tpu.memory_space<vmem>>, %arg9: memref<!tpu.dma_semaphore, #tpu.memory_space<semaphore_mem>>) attributes {dimension_semantics = [#tpu.dimension_semantics<core_parallel>, #tpu.dimension_semantics<subcore_parallel>], iteration_bounds = array<i64: 2, 16>, scalar_prefetch = 0 : i64, scratch_operands = 3 : i64, tpu.core_type = #tpu.core_type<sc_vector_subcore>, window_params = [{transform_indices = #map}, {transform_indices = #map1}, {transform_indices = #map1}, {transform_indices = #map}, {transform_indices = #map}]} {
    %mul3A = arith.constant 2 : i32
    %mul3A_0 = arith.muli %arg1, %mul3A : i32
    %add3A = arith.addi %mul3A_0, %arg0 : i32
    %mul3A_1 = arith.constant 64 : i32
    %mul3A_2 = arith.muli %add3A, %mul3A_1 : i32
    "tpu.region"() ({
      %run_scoped3A = tpu.sem_alloc : memref<!tpu.dma_semaphore, #tpu.memory_space<semaphore_mem>>
      %dma_start3A_13 = tpu.memref_slice %arg3[%mul3A_2] : memref<2048xi32, #tpu.memory_space<hbm>> -> memref<64xi32, #tpu.memory_space<hbm>>
      %dma_start3A_14 = tpu.memref_slice %arg3[%mul3A_2] : memref<2048xi32, #tpu.memory_space<hbm>> -> memref<64xi32, #tpu.memory_space<hbm>>
      tpu.enqueue_dma source(%dma_start3A_14 : memref<64xi32, #tpu.memory_space<hbm>>) target(%arg7 : memref<64xi32, #tpu.memory_space<vmem>>) target_semaphore(%run_scoped3A : memref<!tpu.dma_semaphore, #tpu.memory_space<semaphore_mem>>)
      %dma_wait3A_15 = tpu.memref_slice %arg3[%mul3A_2] : memref<2048xi32, #tpu.memory_space<hbm>> -> memref<64xi32, #tpu.memory_space<hbm>>
      %dma_wait3A_16 = tpu.memref_slice %arg3[%mul3A_2] : memref<2048xi32, #tpu.memory_space<hbm>> -> memref<64xi32, #tpu.memory_space<hbm>>
      tpu.wait_dma2 semaphore(%run_scoped3A : memref<!tpu.dma_semaphore, #tpu.memory_space<semaphore_mem>>) src(%dma_wait3A_16 : memref<64xi32, #tpu.memory_space<hbm>>) dst(%arg7 : memref<64xi32, #tpu.memory_space<vmem>>)
      tpu.yield
    }) : () -> ()
    %dma_start3A = arith.constant 0 : i32
    %dma_start3A_3 = arith.constant 0 : i32
    %dma_start3A_4 = tpu.memref_slice %arg2[%dma_start3A, %dma_start3A_3] : memref<8192x1024xf32, #tpu.memory_space<hbm>> -> memref<8192x1024xf32, #tpu.memory_space<hbm>>
    tpu.enqueue_indirect_dma source(%dma_start3A_4 : memref<8192x1024xf32, #tpu.memory_space<hbm>>) target(%arg8 : memref<64x1024xf32, #tpu.memory_space<vmem>>) offsets(%arg7 : memref<64xi32, #tpu.memory_space<vmem>>) semaphore(%arg9 : memref<!tpu.dma_semaphore, #tpu.memory_space<semaphore_mem>>)
    %dma_wait3A = arith.constant 0 : i32
    %dma_wait3A_5 = arith.constant 0 : i32
    %dma_wait3A_6 = tpu.memref_slice %arg2[%dma_wait3A, %dma_wait3A_5] : memref<8192x1024xf32, #tpu.memory_space<hbm>> -> memref<8192x1024xf32, #tpu.memory_space<hbm>>
    tpu.wait_indirect_dma semaphore(%arg9 : memref<!tpu.dma_semaphore, #tpu.memory_space<semaphore_mem>>) src(%dma_wait3A_6 : memref<8192x1024xf32, #tpu.memory_space<hbm>>) dst(%arg8 : memref<64x1024xf32, #tpu.memory_space<vmem>>)
    "tpu.region"() ({
      %run_scoped3A = tpu.sem_alloc : memref<!tpu.dma_semaphore, #tpu.memory_space<semaphore_mem>>
      %dma_start3A_13 = arith.constant 0 : i32
      %dma_start3A_14 = tpu.memref_slice %arg5[%mul3A_2, %dma_start3A_13] : memref<2048x1024xf32, #tpu.memory_space<hbm>> -> memref<64x1024xf32, #tpu.memory_space<hbm>>
      %dma_start3A_15 = arith.constant 0 : i32
      %dma_start3A_16 = tpu.memref_slice %arg5[%mul3A_2, %dma_start3A_15] : memref<2048x1024xf32, #tpu.memory_space<hbm>> -> memref<64x1024xf32, #tpu.memory_space<hbm>>
      tpu.enqueue_dma source(%arg8 : memref<64x1024xf32, #tpu.memory_space<vmem>>) target(%dma_start3A_16 : memref<64x1024xf32, #tpu.memory_space<hbm>>) target_semaphore(%run_scoped3A : memref<!tpu.dma_semaphore, #tpu.memory_space<semaphore_mem>>)
      %dma_wait3A_17 = arith.constant 0 : i32
      %dma_wait3A_18 = tpu.memref_slice %arg5[%mul3A_2, %dma_wait3A_17] : memref<2048x1024xf32, #tpu.memory_space<hbm>> -> memref<64x1024xf32, #tpu.memory_space<hbm>>
      %dma_wait3A_19 = arith.constant 0 : i32
      %dma_wait3A_20 = tpu.memref_slice %arg5[%mul3A_2, %dma_wait3A_19] : memref<2048x1024xf32, #tpu.memory_space<hbm>> -> memref<64x1024xf32, #tpu.memory_space<hbm>>
      tpu.wait_dma2 semaphore(%run_scoped3A : memref<!tpu.dma_semaphore, #tpu.memory_space<semaphore_mem>>) src(%arg8 : memref<64x1024xf32, #tpu.memory_space<vmem>>) dst(%dma_wait3A_20 : memref<64x1024xf32, #tpu.memory_space<hbm>>)
      tpu.yield
    }) : () -> ()
    "tpu.region"() ({
      %run_scoped3A = tpu.sem_alloc : memref<!tpu.dma_semaphore, #tpu.memory_space<semaphore_mem>>
      %dma_start3A_13 = tpu.memref_slice %arg4[%mul3A_2] : memref<2048xi32, #tpu.memory_space<hbm>> -> memref<64xi32, #tpu.memory_space<hbm>>
      %dma_start3A_14 = tpu.memref_slice %arg4[%mul3A_2] : memref<2048xi32, #tpu.memory_space<hbm>> -> memref<64xi32, #tpu.memory_space<hbm>>
      tpu.enqueue_dma source(%dma_start3A_14 : memref<64xi32, #tpu.memory_space<hbm>>) target(%arg7 : memref<64xi32, #tpu.memory_space<vmem>>) target_semaphore(%run_scoped3A : memref<!tpu.dma_semaphore, #tpu.memory_space<semaphore_mem>>)
      %dma_wait3A_15 = tpu.memref_slice %arg4[%mul3A_2] : memref<2048xi32, #tpu.memory_space<hbm>> -> memref<64xi32, #tpu.memory_space<hbm>>
      %dma_wait3A_16 = tpu.memref_slice %arg4[%mul3A_2] : memref<2048xi32, #tpu.memory_space<hbm>> -> memref<64xi32, #tpu.memory_space<hbm>>
      tpu.wait_dma2 semaphore(%run_scoped3A : memref<!tpu.dma_semaphore, #tpu.memory_space<semaphore_mem>>) src(%dma_wait3A_16 : memref<64xi32, #tpu.memory_space<hbm>>) dst(%arg7 : memref<64xi32, #tpu.memory_space<vmem>>)
      tpu.yield
    }) : () -> ()
    %dma_start3A_7 = arith.constant 0 : i32
    %dma_start3A_8 = arith.constant 0 : i32
    %dma_start3A_9 = tpu.memref_slice %arg2[%dma_start3A_7, %dma_start3A_8] : memref<8192x1024xf32, #tpu.memory_space<hbm>> -> memref<8192x1024xf32, #tpu.memory_space<hbm>>
    tpu.enqueue_indirect_dma source(%dma_start3A_9 : memref<8192x1024xf32, #tpu.memory_space<hbm>>) target(%arg8 : memref<64x1024xf32, #tpu.memory_space<vmem>>) offsets(%arg7 : memref<64xi32, #tpu.memory_space<vmem>>) semaphore(%arg9 : memref<!tpu.dma_semaphore, #tpu.memory_space<semaphore_mem>>)
    %dma_wait3A_10 = arith.constant 0 : i32
    %dma_wait3A_11 = arith.constant 0 : i32
    %dma_wait3A_12 = tpu.memref_slice %arg2[%dma_wait3A_10, %dma_wait3A_11] : memref<8192x1024xf32, #tpu.memory_space<hbm>> -> memref<8192x1024xf32, #tpu.memory_space<hbm>>
    tpu.wait_indirect_dma semaphore(%arg9 : memref<!tpu.dma_semaphore, #tpu.memory_space<semaphore_mem>>) src(%dma_wait3A_12 : memref<8192x1024xf32, #tpu.memory_space<hbm>>) dst(%arg8 : memref<64x1024xf32, #tpu.memory_space<vmem>>)
    "tpu.region"() ({
      %run_scoped3A = tpu.sem_alloc : memref<!tpu.dma_semaphore, #tpu.memory_space<semaphore_mem>>
      %dma_start3A_13 = arith.constant 0 : i32
      %dma_start3A_14 = tpu.memref_slice %arg6[%mul3A_2, %dma_start3A_13] : memref<2048x1024xf32, #tpu.memory_space<hbm>> -> memref<64x1024xf32, #tpu.memory_space<hbm>>
      %dma_start3A_15 = arith.constant 0 : i32
      %dma_start3A_16 = tpu.memref_slice %arg6[%mul3A_2, %dma_start3A_15] : memref<2048x1024xf32, #tpu.memory_space<hbm>> -> memref<64x1024xf32, #tpu.memory_space<hbm>>
      tpu.enqueue_dma source(%arg8 : memref<64x1024xf32, #tpu.memory_space<vmem>>) target(%dma_start3A_16 : memref<64x1024xf32, #tpu.memory_space<hbm>>) target_semaphore(%run_scoped3A : memref<!tpu.dma_semaphore, #tpu.memory_space<semaphore_mem>>)
      %dma_wait3A_17 = arith.constant 0 : i32
      %dma_wait3A_18 = tpu.memref_slice %arg6[%mul3A_2, %dma_wait3A_17] : memref<2048x1024xf32, #tpu.memory_space<hbm>> -> memref<64x1024xf32, #tpu.memory_space<hbm>>
      %dma_wait3A_19 = arith.constant 0 : i32
      %dma_wait3A_20 = tpu.memref_slice %arg6[%mul3A_2, %dma_wait3A_19] : memref<2048x1024xf32, #tpu.memory_space<hbm>> -> memref<64x1024xf32, #tpu.memory_space<hbm>>
      tpu.wait_dma2 semaphore(%run_scoped3A : memref<!tpu.dma_semaphore, #tpu.memory_space<semaphore_mem>>) src(%arg8 : memref<64x1024xf32, #tpu.memory_space<vmem>>) dst(%dma_wait3A_20 : memref<64x1024xf32, #tpu.memory_space<hbm>>)
      tpu.yield
    }) : () -> ()
    return
  }
}

module attributes {stable_mosaic.version = 14 : i64} {
  func.func @_plan_body(%arg0: memref<2048x1024xbf16, #tpu.memory_space<vmem>>, %arg1: memref<2048x1xf32, #tpu.memory_space<vmem>>, %arg2: memref<1024x16xf32, #tpu.memory_space<vmem>>, %arg3: memref<2x8xf32, #tpu.memory_space<vmem>>, %arg4: memref<2048x1xi32, #tpu.memory_space<vmem>>, %arg5: memref<2048x1xi32, #tpu.memory_space<vmem>>, %arg6: memref<2048x1xf32, #tpu.memory_space<vmem>>, %arg7: memref<2048x1xf32, #tpu.memory_space<vmem>>, %arg8: memref<1x128xi32, #tpu.memory_space<vmem>>) attributes {dimension_semantics = [], scalar_prefetch = 0 : i64, scratch_operands = 0 : i64, tpu.core_type = #tpu.core_type<tc>} {
    %get3A = arith.constant 0 : index
    %get3A_0 = arith.constant 0 : index
    %get3A_1 = vector.load %arg0[%get3A, %get3A_0] : memref<2048x1024xbf16, #tpu.memory_space<vmem>>, vector<2048x1024xbf16>
    %get3A_2 = arith.constant 0 : index
    %get3A_3 = arith.constant 0 : index
    %get3A_4 = vector.load %arg2[%get3A_2, %get3A_3] : memref<1024x16xf32, #tpu.memory_space<vmem>>, vector<1024x16xf32>
    %convert_element_type3A = arith.truncf %get3A_4 : vector<1024x16xf32> to vector<1024x16xbf16>
    %dot_general3A = arith.constant dense<0.000000e+00> : vector<2048x16xf32>
    %dot_general3A_5 = tpu.matmul %get3A_1, %convert_element_type3A, %dot_general3A {dimension_numbers = #tpu.dot_dimension_numbers<[1], [0], [0], [1], [0, 0, 1, 1], [], []>, transpose_lhs_hint = false} : vector<2048x1024xbf16>, vector<1024x16xbf16>, vector<2048x16xf32> -> vector<2048x16xf32>
    %slice3A = vector.extract_strided_slice %dot_general3A_5 {offsets = [0, 0], sizes = [2048, 8], strides = [1, 1]} : vector<2048x16xf32> to vector<2048x8xf32>
    %get3A_6 = arith.constant 0 : index
    %get3A_7 = arith.constant 0 : index
    %get3A_8 = vector.load %arg3[%get3A_6, %get3A_7] : memref<2x8xf32, #tpu.memory_space<vmem>>, vector<1x8xf32>
    %reduce_max3A = arith.constant dense<0xFF800000> : vector<2048xf32>
    %reduce_max3A_9 = vector.multi_reduction <maximumf>, %slice3A, %reduce_max3A [1] : vector<2048x8xf32> to vector<2048xf32>
    %broadcast_in_dim3A = vector.shape_cast %reduce_max3A_9 : vector<2048xf32> to vector<2048x1xf32>
    %sub3A = vector.broadcast %broadcast_in_dim3A : vector<2048x1xf32> to vector<2048x8xf32>
    %sub3A_10 = arith.subf %slice3A, %sub3A : vector<2048x8xf32>
    %exp3A = math.exp %sub3A_10 : vector<2048x8xf32>
    %reduce_sum3A = arith.constant dense<0.000000e+00> : vector<2048xf32>
    %reduce_sum3A_11 = vector.multi_reduction <add>, %exp3A, %reduce_sum3A [1] : vector<2048x8xf32> to vector<2048xf32>
    %broadcast_in_dim3A_12 = vector.shape_cast %reduce_sum3A_11 : vector<2048xf32> to vector<2048x1xf32>
    %div3A = vector.broadcast %broadcast_in_dim3A_12 : vector<2048x1xf32> to vector<2048x8xf32>
    %div3A_13 = arith.divf %exp3A, %div3A : vector<2048x8xf32>
    %add3A = vector.broadcast %get3A_8 : vector<1x8xf32> to vector<2048x8xf32>
    %add3A_14 = arith.addf %div3A_13, %add3A : vector<2048x8xf32>
    %iota3A = tpu.iota {dimensions = array<i32: 1>} : vector<2048x8xi32>
    %reduce_max3A_15 = arith.constant dense<0xFF800000> : vector<2048xf32>
    %reduce_max3A_16 = vector.multi_reduction <maximumf>, %add3A_14, %reduce_max3A_15 [1] : vector<2048x8xf32> to vector<2048xf32>
    %broadcast_in_dim3A_17 = vector.shape_cast %reduce_max3A_16 : vector<2048xf32> to vector<2048x1xf32>
    %eq3A = vector.broadcast %broadcast_in_dim3A_17 : vector<2048x1xf32> to vector<2048x8xf32>
    %eq3A_18 = arith.cmpf oeq, %add3A_14, %eq3A : vector<2048x8xf32>
    %jit3A = arith.constant 8 : i32
    %broadcast_in_dim3A_19 = vector.broadcast %jit3A : i32 to vector<2048x8xi32>
    %select_n3A = arith.select %eq3A_18, %iota3A, %broadcast_in_dim3A_19 : vector<2048x8xi1>, vector<2048x8xi32>
    %reduce_min3A = arith.constant dense<2147483647> : vector<2048xi32>
    %reduce_min3A_20 = vector.multi_reduction <minsi>, %select_n3A, %reduce_min3A [1] : vector<2048x8xi32> to vector<2048xi32>
    %broadcast_in_dim3A_21 = vector.shape_cast %reduce_min3A_20 : vector<2048xi32> to vector<2048x1xi32>
    %eq3A_22 = vector.broadcast %broadcast_in_dim3A_21 : vector<2048x1xi32> to vector<2048x8xi32>
    %eq3A_23 = arith.cmpi eq, %iota3A, %eq3A_22 : vector<2048x8xi32>
    %jit3A_24 = arith.constant 0xFF800000 : f32
    %broadcast_in_dim3A_25 = vector.broadcast %jit3A_24 : f32 to vector<2048x8xf32>
    %select_n3A_26 = arith.select %eq3A_23, %broadcast_in_dim3A_25, %add3A_14 : vector<2048x8xi1>, vector<2048x8xf32>
    %reduce_max3A_27 = arith.constant dense<0xFF800000> : vector<2048xf32>
    %reduce_max3A_28 = vector.multi_reduction <maximumf>, %select_n3A_26, %reduce_max3A_27 [1] : vector<2048x8xf32> to vector<2048xf32>
    %broadcast_in_dim3A_29 = vector.shape_cast %reduce_max3A_28 : vector<2048xf32> to vector<2048x1xf32>
    %eq3A_30 = vector.broadcast %broadcast_in_dim3A_29 : vector<2048x1xf32> to vector<2048x8xf32>
    %eq3A_31 = arith.cmpf oeq, %select_n3A_26, %eq3A_30 : vector<2048x8xf32>
    %jit3A_32 = arith.constant 8 : i32
    %broadcast_in_dim3A_33 = vector.broadcast %jit3A_32 : i32 to vector<2048x8xi32>
    %select_n3A_34 = arith.select %eq3A_31, %iota3A, %broadcast_in_dim3A_33 : vector<2048x8xi1>, vector<2048x8xi32>
    %reduce_min3A_35 = arith.constant dense<2147483647> : vector<2048xi32>
    %reduce_min3A_36 = vector.multi_reduction <minsi>, %select_n3A_34, %reduce_min3A_35 [1] : vector<2048x8xi32> to vector<2048xi32>
    %broadcast_in_dim3A_37 = vector.shape_cast %reduce_min3A_36 : vector<2048xi32> to vector<2048x1xi32>
    %eq3A_38 = vector.broadcast %broadcast_in_dim3A_21 : vector<2048x1xi32> to vector<2048x8xi32>
    %eq3A_39 = arith.cmpi eq, %iota3A, %eq3A_38 : vector<2048x8xi32>
    %jit3A_40 = arith.constant 0.000000e+00 : f32
    %broadcast_in_dim3A_41 = vector.broadcast %jit3A_40 : f32 to vector<2048x8xf32>
    %select_n3A_42 = arith.select %eq3A_39, %div3A_13, %broadcast_in_dim3A_41 : vector<2048x8xi1>, vector<2048x8xf32>
    %reduce_sum3A_43 = arith.constant dense<0.000000e+00> : vector<2048xf32>
    %reduce_sum3A_44 = vector.multi_reduction <add>, %select_n3A_42, %reduce_sum3A_43 [1] : vector<2048x8xf32> to vector<2048xf32>
    %broadcast_in_dim3A_45 = vector.shape_cast %reduce_sum3A_44 : vector<2048xf32> to vector<2048x1xf32>
    %eq3A_46 = vector.broadcast %broadcast_in_dim3A_37 : vector<2048x1xi32> to vector<2048x8xi32>
    %eq3A_47 = arith.cmpi eq, %iota3A, %eq3A_46 : vector<2048x8xi32>
    %jit3A_48 = arith.constant 0.000000e+00 : f32
    %broadcast_in_dim3A_49 = vector.broadcast %jit3A_48 : f32 to vector<2048x8xf32>
    %select_n3A_50 = arith.select %eq3A_47, %div3A_13, %broadcast_in_dim3A_49 : vector<2048x8xi1>, vector<2048x8xf32>
    %reduce_sum3A_51 = arith.constant dense<0.000000e+00> : vector<2048xf32>
    %reduce_sum3A_52 = vector.multi_reduction <add>, %select_n3A_50, %reduce_sum3A_51 [1] : vector<2048x8xf32> to vector<2048xf32>
    %broadcast_in_dim3A_53 = vector.shape_cast %reduce_sum3A_52 : vector<2048xf32> to vector<2048x1xf32>
    %add3A_54 = arith.addf %broadcast_in_dim3A_45, %broadcast_in_dim3A_53 : vector<2048x1xf32>
    %div3A_55 = arith.divf %broadcast_in_dim3A_45, %add3A_54 : vector<2048x1xf32>
    %div3A_56 = arith.divf %broadcast_in_dim3A_53, %add3A_54 : vector<2048x1xf32>
    %slice3A_57 = vector.extract_strided_slice %dot_general3A_5 {offsets = [0, 8], sizes = [2048, 8], strides = [1, 1]} : vector<2048x16xf32> to vector<2048x8xf32>
    %get3A_58 = arith.constant 1 : index
    %get3A_59 = arith.constant 0 : index
    %get3A_60 = vector.load %arg3[%get3A_58, %get3A_59] : memref<2x8xf32, #tpu.memory_space<vmem>>, vector<1x8xf32>
    %reduce_max3A_61 = arith.constant dense<0xFF800000> : vector<2048xf32>
    %reduce_max3A_62 = vector.multi_reduction <maximumf>, %slice3A_57, %reduce_max3A_61 [1] : vector<2048x8xf32> to vector<2048xf32>
    %broadcast_in_dim3A_63 = vector.shape_cast %reduce_max3A_62 : vector<2048xf32> to vector<2048x1xf32>
    %sub3A_64 = vector.broadcast %broadcast_in_dim3A_63 : vector<2048x1xf32> to vector<2048x8xf32>
    %sub3A_65 = arith.subf %slice3A_57, %sub3A_64 : vector<2048x8xf32>
    %exp3A_66 = math.exp %sub3A_65 : vector<2048x8xf32>
    %reduce_sum3A_67 = arith.constant dense<0.000000e+00> : vector<2048xf32>
    %reduce_sum3A_68 = vector.multi_reduction <add>, %exp3A_66, %reduce_sum3A_67 [1] : vector<2048x8xf32> to vector<2048xf32>
    %broadcast_in_dim3A_69 = vector.shape_cast %reduce_sum3A_68 : vector<2048xf32> to vector<2048x1xf32>
    %div3A_70 = vector.broadcast %broadcast_in_dim3A_69 : vector<2048x1xf32> to vector<2048x8xf32>
    %div3A_71 = arith.divf %exp3A_66, %div3A_70 : vector<2048x8xf32>
    %add3A_72 = vector.broadcast %get3A_60 : vector<1x8xf32> to vector<2048x8xf32>
    %add3A_73 = arith.addf %div3A_71, %add3A_72 : vector<2048x8xf32>
    %iota3A_74 = tpu.iota {dimensions = array<i32: 1>} : vector<2048x8xi32>
    %reduce_max3A_75 = arith.constant dense<0xFF800000> : vector<2048xf32>
    %reduce_max3A_76 = vector.multi_reduction <maximumf>, %add3A_73, %reduce_max3A_75 [1] : vector<2048x8xf32> to vector<2048xf32>
    %broadcast_in_dim3A_77 = vector.shape_cast %reduce_max3A_76 : vector<2048xf32> to vector<2048x1xf32>
    %eq3A_78 = vector.broadcast %broadcast_in_dim3A_77 : vector<2048x1xf32> to vector<2048x8xf32>
    %eq3A_79 = arith.cmpf oeq, %add3A_73, %eq3A_78 : vector<2048x8xf32>
    %jit3A_80 = arith.constant 8 : i32
    %broadcast_in_dim3A_81 = vector.broadcast %jit3A_80 : i32 to vector<2048x8xi32>
    %select_n3A_82 = arith.select %eq3A_79, %iota3A_74, %broadcast_in_dim3A_81 : vector<2048x8xi1>, vector<2048x8xi32>
    %reduce_min3A_83 = arith.constant dense<2147483647> : vector<2048xi32>
    %reduce_min3A_84 = vector.multi_reduction <minsi>, %select_n3A_82, %reduce_min3A_83 [1] : vector<2048x8xi32> to vector<2048xi32>
    %broadcast_in_dim3A_85 = vector.shape_cast %reduce_min3A_84 : vector<2048xi32> to vector<2048x1xi32>
    %eq3A_86 = vector.broadcast %broadcast_in_dim3A_85 : vector<2048x1xi32> to vector<2048x8xi32>
    %eq3A_87 = arith.cmpi eq, %iota3A_74, %eq3A_86 : vector<2048x8xi32>
    %jit3A_88 = arith.constant 0xFF800000 : f32
    %broadcast_in_dim3A_89 = vector.broadcast %jit3A_88 : f32 to vector<2048x8xf32>
    %select_n3A_90 = arith.select %eq3A_87, %broadcast_in_dim3A_89, %add3A_73 : vector<2048x8xi1>, vector<2048x8xf32>
    %reduce_max3A_91 = arith.constant dense<0xFF800000> : vector<2048xf32>
    %reduce_max3A_92 = vector.multi_reduction <maximumf>, %select_n3A_90, %reduce_max3A_91 [1] : vector<2048x8xf32> to vector<2048xf32>
    %broadcast_in_dim3A_93 = vector.shape_cast %reduce_max3A_92 : vector<2048xf32> to vector<2048x1xf32>
    %eq3A_94 = vector.broadcast %broadcast_in_dim3A_93 : vector<2048x1xf32> to vector<2048x8xf32>
    %eq3A_95 = arith.cmpf oeq, %select_n3A_90, %eq3A_94 : vector<2048x8xf32>
    %jit3A_96 = arith.constant 8 : i32
    %broadcast_in_dim3A_97 = vector.broadcast %jit3A_96 : i32 to vector<2048x8xi32>
    %select_n3A_98 = arith.select %eq3A_95, %iota3A_74, %broadcast_in_dim3A_97 : vector<2048x8xi1>, vector<2048x8xi32>
    %reduce_min3A_99 = arith.constant dense<2147483647> : vector<2048xi32>
    %reduce_min3A_100 = vector.multi_reduction <minsi>, %select_n3A_98, %reduce_min3A_99 [1] : vector<2048x8xi32> to vector<2048xi32>
    %broadcast_in_dim3A_101 = vector.shape_cast %reduce_min3A_100 : vector<2048xi32> to vector<2048x1xi32>
    %eq3A_102 = vector.broadcast %broadcast_in_dim3A_85 : vector<2048x1xi32> to vector<2048x8xi32>
    %eq3A_103 = arith.cmpi eq, %iota3A_74, %eq3A_102 : vector<2048x8xi32>
    %jit3A_104 = arith.constant 0.000000e+00 : f32
    %broadcast_in_dim3A_105 = vector.broadcast %jit3A_104 : f32 to vector<2048x8xf32>
    %select_n3A_106 = arith.select %eq3A_103, %div3A_71, %broadcast_in_dim3A_105 : vector<2048x8xi1>, vector<2048x8xf32>
    %reduce_sum3A_107 = arith.constant dense<0.000000e+00> : vector<2048xf32>
    %reduce_sum3A_108 = vector.multi_reduction <add>, %select_n3A_106, %reduce_sum3A_107 [1] : vector<2048x8xf32> to vector<2048xf32>
    %broadcast_in_dim3A_109 = vector.shape_cast %reduce_sum3A_108 : vector<2048xf32> to vector<2048x1xf32>
    %eq3A_110 = vector.broadcast %broadcast_in_dim3A_101 : vector<2048x1xi32> to vector<2048x8xi32>
    %eq3A_111 = arith.cmpi eq, %iota3A_74, %eq3A_110 : vector<2048x8xi32>
    %jit3A_112 = arith.constant 0.000000e+00 : f32
    %broadcast_in_dim3A_113 = vector.broadcast %jit3A_112 : f32 to vector<2048x8xf32>
    %select_n3A_114 = arith.select %eq3A_111, %div3A_71, %broadcast_in_dim3A_113 : vector<2048x8xi1>, vector<2048x8xf32>
    %reduce_sum3A_115 = arith.constant dense<0.000000e+00> : vector<2048xf32>
    %reduce_sum3A_116 = vector.multi_reduction <add>, %select_n3A_114, %reduce_sum3A_115 [1] : vector<2048x8xf32> to vector<2048xf32>
    %broadcast_in_dim3A_117 = vector.shape_cast %reduce_sum3A_116 : vector<2048xf32> to vector<2048x1xf32>
    %add3A_118 = arith.addf %broadcast_in_dim3A_109, %broadcast_in_dim3A_117 : vector<2048x1xf32>
    %div3A_119 = arith.divf %broadcast_in_dim3A_109, %add3A_118 : vector<2048x1xf32>
    %div3A_120 = arith.divf %broadcast_in_dim3A_117, %add3A_118 : vector<2048x1xf32>
    %get3A_121 = arith.constant 0 : index
    %get3A_122 = arith.constant 0 : index
    %get3A_123 = vector.load %arg1[%get3A_121, %get3A_122] : memref<2048x1xf32, #tpu.memory_space<vmem>>, vector<2048x1xf32>
    %gt3A = arith.constant 5.000000e-01 : f32
    %gt3A_124 = vector.broadcast %gt3A : f32 to vector<2048x1xf32>
    %gt3A_125 = arith.cmpf ogt, %get3A_123, %gt3A_124 : vector<2048x1xf32>
    %add3A_126 = arith.constant 8 : i32
    %add3A_127 = vector.broadcast %add3A_126 : i32 to vector<2048x1xi32>
    %add3A_128 = arith.addi %broadcast_in_dim3A_85, %add3A_127 : vector<2048x1xi32>
    %select_n3A_129 = arith.select %gt3A_125, %add3A_128, %broadcast_in_dim3A_21 : vector<2048x1xi1>, vector<2048x1xi32>
    %add3A_130 = arith.constant 8 : i32
    %add3A_131 = vector.broadcast %add3A_130 : i32 to vector<2048x1xi32>
    %add3A_132 = arith.addi %broadcast_in_dim3A_101, %add3A_131 : vector<2048x1xi32>
    %select_n3A_133 = arith.select %gt3A_125, %add3A_132, %broadcast_in_dim3A_37 : vector<2048x1xi1>, vector<2048x1xi32>
    %select_n3A_134 = arith.select %gt3A_125, %div3A_119, %div3A_55 : vector<2048x1xi1>, vector<2048x1xf32>
    %swap3A = arith.constant 0 : index
    %swap3A_135 = arith.constant 0 : index
    %swap3A_136 = vector.load %arg6[%swap3A, %swap3A_135] : memref<2048x1xf32, #tpu.memory_space<vmem>>, vector<2048x1xf32>
    tpu.vector_store %arg6[%swap3A, %swap3A_135], %select_n3A_134 {strides = array<i32>} : memref<2048x1xf32, #tpu.memory_space<vmem>>, vector<2048x1xf32>,
    %select_n3A_137 = arith.select %gt3A_125, %div3A_120, %div3A_56 : vector<2048x1xi1>, vector<2048x1xf32>
    %swap3A_138 = arith.constant 0 : index
    %swap3A_139 = arith.constant 0 : index
    %swap3A_140 = vector.load %arg7[%swap3A_138, %swap3A_139] : memref<2048x1xf32, #tpu.memory_space<vmem>>, vector<2048x1xf32>
    tpu.vector_store %arg7[%swap3A_138, %swap3A_139], %select_n3A_137 {strides = array<i32>} : memref<2048x1xf32, #tpu.memory_space<vmem>>, vector<2048x1xf32>,
    %iota3A_141 = tpu.iota {dimensions = array<i32: 1>} : vector<512x16xi32>
    %iota3A_142 = tpu.iota {dimensions = array<i32: 0>} : vector<512x512xi32>
    %iota3A_143 = tpu.iota {dimensions = array<i32: 1>} : vector<512x512xi32>
    %lt3A = arith.cmpi slt, %iota3A_143, %iota3A_142 : vector<512x512xi32>
    %convert_element_type3A_144 = arith.extui %lt3A : vector<512x512xi1> to vector<512x512xi32>
    %convert_element_type3A_145 = arith.sitofp %convert_element_type3A_144 : vector<512x512xi32> to vector<512x512xf32>
    %convert_element_type3A_146 = arith.truncf %convert_element_type3A_145 : vector<512x512xf32> to vector<512x512xbf16>
    %broadcast_in_dim3A_147 = arith.constant 0.000000e+00 : f32
    %broadcast_in_dim3A_148 = vector.broadcast %broadcast_in_dim3A_147 : f32 to vector<1x16xf32>
    %slice3A_149 = vector.extract_strided_slice %select_n3A_129 {offsets = [0, 0], sizes = [512, 1], strides = [1, 1]} : vector<2048x1xi32> to vector<512x1xi32>
    %eq3A_150 = vector.broadcast %slice3A_149 : vector<512x1xi32> to vector<512x16xi32>
    %eq3A_151 = arith.cmpi eq, %iota3A_141, %eq3A_150 : vector<512x16xi32>
    %convert_element_type3A_152 = arith.extui %eq3A_151 : vector<512x16xi1> to vector<512x16xi32>
    %convert_element_type3A_153 = arith.sitofp %convert_element_type3A_152 : vector<512x16xi32> to vector<512x16xf32>
    %slice3A_154 = vector.extract_strided_slice %select_n3A_133 {offsets = [0, 0], sizes = [512, 1], strides = [1, 1]} : vector<2048x1xi32> to vector<512x1xi32>
    %eq3A_155 = vector.broadcast %slice3A_154 : vector<512x1xi32> to vector<512x16xi32>
    %eq3A_156 = arith.cmpi eq, %iota3A_141, %eq3A_155 : vector<512x16xi32>
    %convert_element_type3A_157 = arith.extui %eq3A_156 : vector<512x16xi1> to vector<512x16xi32>
    %convert_element_type3A_158 = arith.sitofp %convert_element_type3A_157 : vector<512x16xi32> to vector<512x16xf32>
    %add3A_159 = arith.addf %convert_element_type3A_153, %convert_element_type3A_158 : vector<512x16xf32>
    %convert_element_type3A_160 = arith.truncf %add3A_159 : vector<512x16xf32> to vector<512x16xbf16>
    %dot_general3A_161 = arith.constant dense<0.000000e+00> : vector<512x16xf32>
    %dot_general3A_162 = tpu.matmul %convert_element_type3A_146, %convert_element_type3A_160, %dot_general3A_161 {dimension_numbers = #tpu.dot_dimension_numbers<[1], [0], [0], [1], [0, 0, 1, 1], [], []>, transpose_lhs_hint = false} : vector<512x512xbf16>, vector<512x16xbf16>, vector<512x16xf32> -> vector<512x16xf32>
    %add3A_163 = vector.broadcast %broadcast_in_dim3A_148 : vector<1x16xf32> to vector<512x16xf32>
    %add3A_164 = arith.addf %dot_general3A_162, %add3A_163 : vector<512x16xf32>
    %reduce_sum3A_165 = arith.constant dense<0.000000e+00> : vector<16xf32>
    %reduce_sum3A_166 = vector.multi_reduction <add>, %add3A_159, %reduce_sum3A_165 [0] : vector<512x16xf32> to vector<16xf32>
    %broadcast_in_dim3A_167 = vector.shape_cast %reduce_sum3A_166 : vector<16xf32> to vector<1x16xf32>
    %add3A_168 = arith.addf %broadcast_in_dim3A_148, %broadcast_in_dim3A_167 : vector<1x16xf32>
    %slice3A_169 = vector.extract_strided_slice %select_n3A_129 {offsets = [512, 0], sizes = [512, 1], strides = [1, 1]} : vector<2048x1xi32> to vector<512x1xi32>
    %eq3A_170 = vector.broadcast %slice3A_169 : vector<512x1xi32> to vector<512x16xi32>
    %eq3A_171 = arith.cmpi eq, %iota3A_141, %eq3A_170 : vector<512x16xi32>
    %convert_element_type3A_172 = arith.extui %eq3A_171 : vector<512x16xi1> to vector<512x16xi32>
    %convert_element_type3A_173 = arith.sitofp %convert_element_type3A_172 : vector<512x16xi32> to vector<512x16xf32>
    %slice3A_174 = vector.extract_strided_slice %select_n3A_133 {offsets = [512, 0], sizes = [512, 1], strides = [1, 1]} : vector<2048x1xi32> to vector<512x1xi32>
    %eq3A_175 = vector.broadcast %slice3A_174 : vector<512x1xi32> to vector<512x16xi32>
    %eq3A_176 = arith.cmpi eq, %iota3A_141, %eq3A_175 : vector<512x16xi32>
    %convert_element_type3A_177 = arith.extui %eq3A_176 : vector<512x16xi1> to vector<512x16xi32>
    %convert_element_type3A_178 = arith.sitofp %convert_element_type3A_177 : vector<512x16xi32> to vector<512x16xf32>
    %add3A_179 = arith.addf %convert_element_type3A_173, %convert_element_type3A_178 : vector<512x16xf32>
    %convert_element_type3A_180 = arith.truncf %add3A_179 : vector<512x16xf32> to vector<512x16xbf16>
    %dot_general3A_181 = arith.constant dense<0.000000e+00> : vector<512x16xf32>
    %dot_general3A_182 = tpu.matmul %convert_element_type3A_146, %convert_element_type3A_180, %dot_general3A_181 {dimension_numbers = #tpu.dot_dimension_numbers<[1], [0], [0], [1], [0, 0, 1, 1], [], []>, transpose_lhs_hint = false} : vector<512x512xbf16>, vector<512x16xbf16>, vector<512x16xf32> -> vector<512x16xf32>
    %add3A_183 = vector.broadcast %add3A_168 : vector<1x16xf32> to vector<512x16xf32>
    %add3A_184 = arith.addf %dot_general3A_182, %add3A_183 : vector<512x16xf32>
    %reduce_sum3A_185 = arith.constant dense<0.000000e+00> : vector<16xf32>
    %reduce_sum3A_186 = vector.multi_reduction <add>, %add3A_179, %reduce_sum3A_185 [0] : vector<512x16xf32> to vector<16xf32>
    %broadcast_in_dim3A_187 = vector.shape_cast %reduce_sum3A_186 : vector<16xf32> to vector<1x16xf32>
    %add3A_188 = arith.addf %add3A_168, %broadcast_in_dim3A_187 : vector<1x16xf32>
    %slice3A_189 = vector.extract_strided_slice %select_n3A_129 {offsets = [1024, 0], sizes = [512, 1], strides = [1, 1]} : vector<2048x1xi32> to vector<512x1xi32>
    %eq3A_190 = vector.broadcast %slice3A_189 : vector<512x1xi32> to vector<512x16xi32>
    %eq3A_191 = arith.cmpi eq, %iota3A_141, %eq3A_190 : vector<512x16xi32>
    %convert_element_type3A_192 = arith.extui %eq3A_191 : vector<512x16xi1> to vector<512x16xi32>
    %convert_element_type3A_193 = arith.sitofp %convert_element_type3A_192 : vector<512x16xi32> to vector<512x16xf32>
    %slice3A_194 = vector.extract_strided_slice %select_n3A_133 {offsets = [1024, 0], sizes = [512, 1], strides = [1, 1]} : vector<2048x1xi32> to vector<512x1xi32>
    %eq3A_195 = vector.broadcast %slice3A_194 : vector<512x1xi32> to vector<512x16xi32>
    %eq3A_196 = arith.cmpi eq, %iota3A_141, %eq3A_195 : vector<512x16xi32>
    %convert_element_type3A_197 = arith.extui %eq3A_196 : vector<512x16xi1> to vector<512x16xi32>
    %convert_element_type3A_198 = arith.sitofp %convert_element_type3A_197 : vector<512x16xi32> to vector<512x16xf32>
    %add3A_199 = arith.addf %convert_element_type3A_193, %convert_element_type3A_198 : vector<512x16xf32>
    %convert_element_type3A_200 = arith.truncf %add3A_199 : vector<512x16xf32> to vector<512x16xbf16>
    %dot_general3A_201 = arith.constant dense<0.000000e+00> : vector<512x16xf32>
    %dot_general3A_202 = tpu.matmul %convert_element_type3A_146, %convert_element_type3A_200, %dot_general3A_201 {dimension_numbers = #tpu.dot_dimension_numbers<[1], [0], [0], [1], [0, 0, 1, 1], [], []>, transpose_lhs_hint = false} : vector<512x512xbf16>, vector<512x16xbf16>, vector<512x16xf32> -> vector<512x16xf32>
    %add3A_203 = vector.broadcast %add3A_188 : vector<1x16xf32> to vector<512x16xf32>
    %add3A_204 = arith.addf %dot_general3A_202, %add3A_203 : vector<512x16xf32>
    %reduce_sum3A_205 = arith.constant dense<0.000000e+00> : vector<16xf32>
    %reduce_sum3A_206 = vector.multi_reduction <add>, %add3A_199, %reduce_sum3A_205 [0] : vector<512x16xf32> to vector<16xf32>
    %broadcast_in_dim3A_207 = vector.shape_cast %reduce_sum3A_206 : vector<16xf32> to vector<1x16xf32>
    %add3A_208 = arith.addf %add3A_188, %broadcast_in_dim3A_207 : vector<1x16xf32>
    %slice3A_209 = vector.extract_strided_slice %select_n3A_129 {offsets = [1536, 0], sizes = [512, 1], strides = [1, 1]} : vector<2048x1xi32> to vector<512x1xi32>
    %eq3A_210 = vector.broadcast %slice3A_209 : vector<512x1xi32> to vector<512x16xi32>
    %eq3A_211 = arith.cmpi eq, %iota3A_141, %eq3A_210 : vector<512x16xi32>
    %convert_element_type3A_212 = arith.extui %eq3A_211 : vector<512x16xi1> to vector<512x16xi32>
    %convert_element_type3A_213 = arith.sitofp %convert_element_type3A_212 : vector<512x16xi32> to vector<512x16xf32>
    %slice3A_214 = vector.extract_strided_slice %select_n3A_133 {offsets = [1536, 0], sizes = [512, 1], strides = [1, 1]} : vector<2048x1xi32> to vector<512x1xi32>
    %eq3A_215 = vector.broadcast %slice3A_214 : vector<512x1xi32> to vector<512x16xi32>
    %eq3A_216 = arith.cmpi eq, %iota3A_141, %eq3A_215 : vector<512x16xi32>
    %convert_element_type3A_217 = arith.extui %eq3A_216 : vector<512x16xi1> to vector<512x16xi32>
    %convert_element_type3A_218 = arith.sitofp %convert_element_type3A_217 : vector<512x16xi32> to vector<512x16xf32>
    %add3A_219 = arith.addf %convert_element_type3A_213, %convert_element_type3A_218 : vector<512x16xf32>
    %convert_element_type3A_220 = arith.truncf %add3A_219 : vector<512x16xf32> to vector<512x16xbf16>
    %dot_general3A_221 = arith.constant dense<0.000000e+00> : vector<512x16xf32>
    %dot_general3A_222 = tpu.matmul %convert_element_type3A_146, %convert_element_type3A_220, %dot_general3A_221 {dimension_numbers = #tpu.dot_dimension_numbers<[1], [0], [0], [1], [0, 0, 1, 1], [], []>, transpose_lhs_hint = false} : vector<512x512xbf16>, vector<512x16xbf16>, vector<512x16xf32> -> vector<512x16xf32>
    %add3A_223 = vector.broadcast %add3A_208 : vector<1x16xf32> to vector<512x16xf32>
    %add3A_224 = arith.addf %dot_general3A_222, %add3A_223 : vector<512x16xf32>
    %reduce_sum3A_225 = arith.constant dense<0.000000e+00> : vector<16xf32>
    %reduce_sum3A_226 = vector.multi_reduction <add>, %add3A_219, %reduce_sum3A_225 [0] : vector<512x16xf32> to vector<16xf32>
    %broadcast_in_dim3A_227 = vector.shape_cast %reduce_sum3A_226 : vector<16xf32> to vector<1x16xf32>
    %add3A_228 = arith.addf %add3A_208, %broadcast_in_dim3A_227 : vector<1x16xf32>
    %div3A_229 = arith.constant 2.560000e+02 : f32
    %div3A_230 = vector.broadcast %div3A_229 : f32 to vector<1x16xf32>
    %div3A_231 = arith.divf %add3A_228, %div3A_230 : vector<1x16xf32>
    %ceil3A = math.ceil %div3A_231 : vector<1x16xf32>
    %mul3A = arith.constant 2.560000e+02 : f32
    %mul3A_232 = vector.broadcast %mul3A : f32 to vector<1x16xf32>
    %mul3A_233 = arith.mulf %ceil3A, %mul3A_232 : vector<1x16xf32>
    %iota3A_234 = tpu.iota {dimensions = array<i32: 0>} : vector<16x16xi32>
    %iota3A_235 = tpu.iota {dimensions = array<i32: 1>} : vector<16x16xi32>
    %lt3A_236 = arith.cmpi slt, %iota3A_234, %iota3A_235 : vector<16x16xi32>
    %convert_element_type3A_237 = arith.extui %lt3A_236 : vector<16x16xi1> to vector<16x16xi32>
    %convert_element_type3A_238 = arith.sitofp %convert_element_type3A_237 : vector<16x16xi32> to vector<16x16xf32>
    %convert_element_type3A_239 = arith.truncf %convert_element_type3A_238 : vector<16x16xf32> to vector<16x16xbf16>
    %convert_element_type3A_240 = arith.truncf %mul3A_233 : vector<1x16xf32> to vector<1x16xbf16>
    %dot_general3A_241 = arith.constant dense<0.000000e+00> : vector<1x16xf32>
    %dot_general3A_242 = tpu.matmul %convert_element_type3A_240, %convert_element_type3A_239, %dot_general3A_241 {dimension_numbers = #tpu.dot_dimension_numbers<[1], [0], [0], [1], [0, 0, 1, 1], [], []>, transpose_lhs_hint = false} : vector<1x16xbf16>, vector<16x16xbf16>, vector<1x16xf32> -> vector<1x16xf32>
    %add3A_243 = vector.broadcast %dot_general3A_242 : vector<1x16xf32> to vector<512x16xf32>
    %add3A_244 = arith.addf %add3A_243, %add3A_164 : vector<512x16xf32>
    %iota3A_245 = tpu.iota {dimensions = array<i32: 1>} : vector<512x16xi32>
    %slice3A_246 = vector.extract_strided_slice %select_n3A_129 {offsets = [0, 0], sizes = [512, 1], strides = [1, 1]} : vector<2048x1xi32> to vector<512x1xi32>
    %eq3A_247 = vector.broadcast %slice3A_246 : vector<512x1xi32> to vector<512x16xi32>
    %eq3A_248 = arith.cmpi eq, %iota3A_245, %eq3A_247 : vector<512x16xi32>
    %jit3A_249 = arith.constant 0.000000e+00 : f32
    %broadcast_in_dim3A_250 = vector.broadcast %jit3A_249 : f32 to vector<512x16xf32>
    %select_n3A_251 = arith.select %eq3A_248, %add3A_244, %broadcast_in_dim3A_250 : vector<512x16xi1>, vector<512x16xf32>
    %reduce_sum3A_252 = arith.constant dense<0.000000e+00> : vector<512xf32>
    %reduce_sum3A_253 = vector.multi_reduction <add>, %select_n3A_251, %reduce_sum3A_252 [1] : vector<512x16xf32> to vector<512xf32>
    %broadcast_in_dim3A_254 = vector.shape_cast %reduce_sum3A_253 : vector<512xf32> to vector<512x1xf32>
    %slice3A_255 = vector.extract_strided_slice %select_n3A_133 {offsets = [0, 0], sizes = [512, 1], strides = [1, 1]} : vector<2048x1xi32> to vector<512x1xi32>
    %eq3A_256 = vector.broadcast %slice3A_255 : vector<512x1xi32> to vector<512x16xi32>
    %eq3A_257 = arith.cmpi eq, %iota3A_245, %eq3A_256 : vector<512x16xi32>
    %slice3A_258 = vector.extract_strided_slice %select_n3A_129 {offsets = [0, 0], sizes = [512, 1], strides = [1, 1]} : vector<2048x1xi32> to vector<512x1xi32>
    %slice3A_259 = vector.extract_strided_slice %select_n3A_133 {offsets = [0, 0], sizes = [512, 1], strides = [1, 1]} : vector<2048x1xi32> to vector<512x1xi32>
    %eq3A_260 = arith.cmpi eq, %slice3A_258, %slice3A_259 : vector<512x1xi32>
    %convert_element_type3A_261 = arith.extui %eq3A_260 : vector<512x1xi1> to vector<512x1xi32>
    %convert_element_type3A_262 = arith.sitofp %convert_element_type3A_261 : vector<512x1xi32> to vector<512x1xf32>
    %add3A_263 = vector.broadcast %convert_element_type3A_262 : vector<512x1xf32> to vector<512x16xf32>
    %add3A_264 = arith.addf %add3A_244, %add3A_263 : vector<512x16xf32>
    %jit3A_265 = arith.constant 0.000000e+00 : f32
    %broadcast_in_dim3A_266 = vector.broadcast %jit3A_265 : f32 to vector<512x16xf32>
    %select_n3A_267 = arith.select %eq3A_257, %add3A_264, %broadcast_in_dim3A_266 : vector<512x16xi1>, vector<512x16xf32>
    %reduce_sum3A_268 = arith.constant dense<0.000000e+00> : vector<512xf32>
    %reduce_sum3A_269 = vector.multi_reduction <add>, %select_n3A_267, %reduce_sum3A_268 [1] : vector<512x16xf32> to vector<512xf32>
    %broadcast_in_dim3A_270 = vector.shape_cast %reduce_sum3A_269 : vector<512xf32> to vector<512x1xf32>
    %convert_element_type3A_271 = arith.fptosi %broadcast_in_dim3A_254 : vector<512x1xf32> to vector<512x1xi32>
    %swap3A_272 = arith.constant 0 : index
    %swap3A_273 = arith.constant 0 : index
    %swap3A_274 = vector.load %arg4[%swap3A_272, %swap3A_273] : memref<2048x1xi32, #tpu.memory_space<vmem>>, vector<512x1xi32>
    tpu.vector_store %arg4[%swap3A_272, %swap3A_273], %convert_element_type3A_271 {strides = array<i32>} : memref<2048x1xi32, #tpu.memory_space<vmem>>, vector<512x1xi32>,
    %convert_element_type3A_275 = arith.fptosi %broadcast_in_dim3A_270 : vector<512x1xf32> to vector<512x1xi32>
    %swap3A_276 = arith.constant 0 : index
    %swap3A_277 = arith.constant 0 : index
    %swap3A_278 = vector.load %arg5[%swap3A_276, %swap3A_277] : memref<2048x1xi32, #tpu.memory_space<vmem>>, vector<512x1xi32>
    tpu.vector_store %arg5[%swap3A_276, %swap3A_277], %convert_element_type3A_275 {strides = array<i32>} : memref<2048x1xi32, #tpu.memory_space<vmem>>, vector<512x1xi32>,
    %add3A_279 = vector.broadcast %dot_general3A_242 : vector<1x16xf32> to vector<512x16xf32>
    %add3A_280 = arith.addf %add3A_279, %add3A_184 : vector<512x16xf32>
    %iota3A_281 = tpu.iota {dimensions = array<i32: 1>} : vector<512x16xi32>
    %slice3A_282 = vector.extract_strided_slice %select_n3A_129 {offsets = [512, 0], sizes = [512, 1], strides = [1, 1]} : vector<2048x1xi32> to vector<512x1xi32>
    %eq3A_283 = vector.broadcast %slice3A_282 : vector<512x1xi32> to vector<512x16xi32>
    %eq3A_284 = arith.cmpi eq, %iota3A_281, %eq3A_283 : vector<512x16xi32>
    %jit3A_285 = arith.constant 0.000000e+00 : f32
    %broadcast_in_dim3A_286 = vector.broadcast %jit3A_285 : f32 to vector<512x16xf32>
    %select_n3A_287 = arith.select %eq3A_284, %add3A_280, %broadcast_in_dim3A_286 : vector<512x16xi1>, vector<512x16xf32>
    %reduce_sum3A_288 = arith.constant dense<0.000000e+00> : vector<512xf32>
    %reduce_sum3A_289 = vector.multi_reduction <add>, %select_n3A_287, %reduce_sum3A_288 [1] : vector<512x16xf32> to vector<512xf32>
    %broadcast_in_dim3A_290 = vector.shape_cast %reduce_sum3A_289 : vector<512xf32> to vector<512x1xf32>
    %slice3A_291 = vector.extract_strided_slice %select_n3A_133 {offsets = [512, 0], sizes = [512, 1], strides = [1, 1]} : vector<2048x1xi32> to vector<512x1xi32>
    %eq3A_292 = vector.broadcast %slice3A_291 : vector<512x1xi32> to vector<512x16xi32>
    %eq3A_293 = arith.cmpi eq, %iota3A_281, %eq3A_292 : vector<512x16xi32>
    %slice3A_294 = vector.extract_strided_slice %select_n3A_129 {offsets = [512, 0], sizes = [512, 1], strides = [1, 1]} : vector<2048x1xi32> to vector<512x1xi32>
    %slice3A_295 = vector.extract_strided_slice %select_n3A_133 {offsets = [512, 0], sizes = [512, 1], strides = [1, 1]} : vector<2048x1xi32> to vector<512x1xi32>
    %eq3A_296 = arith.cmpi eq, %slice3A_294, %slice3A_295 : vector<512x1xi32>
    %convert_element_type3A_297 = arith.extui %eq3A_296 : vector<512x1xi1> to vector<512x1xi32>
    %convert_element_type3A_298 = arith.sitofp %convert_element_type3A_297 : vector<512x1xi32> to vector<512x1xf32>
    %add3A_299 = vector.broadcast %convert_element_type3A_298 : vector<512x1xf32> to vector<512x16xf32>
    %add3A_300 = arith.addf %add3A_280, %add3A_299 : vector<512x16xf32>
    %jit3A_301 = arith.constant 0.000000e+00 : f32
    %broadcast_in_dim3A_302 = vector.broadcast %jit3A_301 : f32 to vector<512x16xf32>
    %select_n3A_303 = arith.select %eq3A_293, %add3A_300, %broadcast_in_dim3A_302 : vector<512x16xi1>, vector<512x16xf32>
    %reduce_sum3A_304 = arith.constant dense<0.000000e+00> : vector<512xf32>
    %reduce_sum3A_305 = vector.multi_reduction <add>, %select_n3A_303, %reduce_sum3A_304 [1] : vector<512x16xf32> to vector<512xf32>
    %broadcast_in_dim3A_306 = vector.shape_cast %reduce_sum3A_305 : vector<512xf32> to vector<512x1xf32>
    %convert_element_type3A_307 = arith.fptosi %broadcast_in_dim3A_290 : vector<512x1xf32> to vector<512x1xi32>
    %swap3A_308 = arith.constant 512 : index
    %swap3A_309 = arith.constant 0 : index
    %swap3A_310 = vector.load %arg4[%swap3A_308, %swap3A_309] : memref<2048x1xi32, #tpu.memory_space<vmem>>, vector<512x1xi32>
    tpu.vector_store %arg4[%swap3A_308, %swap3A_309], %convert_element_type3A_307 {strides = array<i32>} : memref<2048x1xi32, #tpu.memory_space<vmem>>, vector<512x1xi32>,
    %convert_element_type3A_311 = arith.fptosi %broadcast_in_dim3A_306 : vector<512x1xf32> to vector<512x1xi32>
    %swap3A_312 = arith.constant 512 : index
    %swap3A_313 = arith.constant 0 : index
    %swap3A_314 = vector.load %arg5[%swap3A_312, %swap3A_313] : memref<2048x1xi32, #tpu.memory_space<vmem>>, vector<512x1xi32>
    tpu.vector_store %arg5[%swap3A_312, %swap3A_313], %convert_element_type3A_311 {strides = array<i32>} : memref<2048x1xi32, #tpu.memory_space<vmem>>, vector<512x1xi32>,
    %add3A_315 = vector.broadcast %dot_general3A_242 : vector<1x16xf32> to vector<512x16xf32>
    %add3A_316 = arith.addf %add3A_315, %add3A_204 : vector<512x16xf32>
    %iota3A_317 = tpu.iota {dimensions = array<i32: 1>} : vector<512x16xi32>
    %slice3A_318 = vector.extract_strided_slice %select_n3A_129 {offsets = [1024, 0], sizes = [512, 1], strides = [1, 1]} : vector<2048x1xi32> to vector<512x1xi32>
    %eq3A_319 = vector.broadcast %slice3A_318 : vector<512x1xi32> to vector<512x16xi32>
    %eq3A_320 = arith.cmpi eq, %iota3A_317, %eq3A_319 : vector<512x16xi32>
    %jit3A_321 = arith.constant 0.000000e+00 : f32
    %broadcast_in_dim3A_322 = vector.broadcast %jit3A_321 : f32 to vector<512x16xf32>
    %select_n3A_323 = arith.select %eq3A_320, %add3A_316, %broadcast_in_dim3A_322 : vector<512x16xi1>, vector<512x16xf32>
    %reduce_sum3A_324 = arith.constant dense<0.000000e+00> : vector<512xf32>
    %reduce_sum3A_325 = vector.multi_reduction <add>, %select_n3A_323, %reduce_sum3A_324 [1] : vector<512x16xf32> to vector<512xf32>
    %broadcast_in_dim3A_326 = vector.shape_cast %reduce_sum3A_325 : vector<512xf32> to vector<512x1xf32>
    %slice3A_327 = vector.extract_strided_slice %select_n3A_133 {offsets = [1024, 0], sizes = [512, 1], strides = [1, 1]} : vector<2048x1xi32> to vector<512x1xi32>
    %eq3A_328 = vector.broadcast %slice3A_327 : vector<512x1xi32> to vector<512x16xi32>
    %eq3A_329 = arith.cmpi eq, %iota3A_317, %eq3A_328 : vector<512x16xi32>
    %slice3A_330 = vector.extract_strided_slice %select_n3A_129 {offsets = [1024, 0], sizes = [512, 1], strides = [1, 1]} : vector<2048x1xi32> to vector<512x1xi32>
    %slice3A_331 = vector.extract_strided_slice %select_n3A_133 {offsets = [1024, 0], sizes = [512, 1], strides = [1, 1]} : vector<2048x1xi32> to vector<512x1xi32>
    %eq3A_332 = arith.cmpi eq, %slice3A_330, %slice3A_331 : vector<512x1xi32>
    %convert_element_type3A_333 = arith.extui %eq3A_332 : vector<512x1xi1> to vector<512x1xi32>
    %convert_element_type3A_334 = arith.sitofp %convert_element_type3A_333 : vector<512x1xi32> to vector<512x1xf32>
    %add3A_335 = vector.broadcast %convert_element_type3A_334 : vector<512x1xf32> to vector<512x16xf32>
    %add3A_336 = arith.addf %add3A_316, %add3A_335 : vector<512x16xf32>
    %jit3A_337 = arith.constant 0.000000e+00 : f32
    %broadcast_in_dim3A_338 = vector.broadcast %jit3A_337 : f32 to vector<512x16xf32>
    %select_n3A_339 = arith.select %eq3A_329, %add3A_336, %broadcast_in_dim3A_338 : vector<512x16xi1>, vector<512x16xf32>
    %reduce_sum3A_340 = arith.constant dense<0.000000e+00> : vector<512xf32>
    %reduce_sum3A_341 = vector.multi_reduction <add>, %select_n3A_339, %reduce_sum3A_340 [1] : vector<512x16xf32> to vector<512xf32>
    %broadcast_in_dim3A_342 = vector.shape_cast %reduce_sum3A_341 : vector<512xf32> to vector<512x1xf32>
    %convert_element_type3A_343 = arith.fptosi %broadcast_in_dim3A_326 : vector<512x1xf32> to vector<512x1xi32>
    %swap3A_344 = arith.constant 1024 : index
    %swap3A_345 = arith.constant 0 : index
    %swap3A_346 = vector.load %arg4[%swap3A_344, %swap3A_345] : memref<2048x1xi32, #tpu.memory_space<vmem>>, vector<512x1xi32>
    tpu.vector_store %arg4[%swap3A_344, %swap3A_345], %convert_element_type3A_343 {strides = array<i32>} : memref<2048x1xi32, #tpu.memory_space<vmem>>, vector<512x1xi32>,
    %convert_element_type3A_347 = arith.fptosi %broadcast_in_dim3A_342 : vector<512x1xf32> to vector<512x1xi32>
    %swap3A_348 = arith.constant 1024 : index
    %swap3A_349 = arith.constant 0 : index
    %swap3A_350 = vector.load %arg5[%swap3A_348, %swap3A_349] : memref<2048x1xi32, #tpu.memory_space<vmem>>, vector<512x1xi32>
    tpu.vector_store %arg5[%swap3A_348, %swap3A_349], %convert_element_type3A_347 {strides = array<i32>} : memref<2048x1xi32, #tpu.memory_space<vmem>>, vector<512x1xi32>,
    %add3A_351 = vector.broadcast %dot_general3A_242 : vector<1x16xf32> to vector<512x16xf32>
    %add3A_352 = arith.addf %add3A_351, %add3A_224 : vector<512x16xf32>
    %iota3A_353 = tpu.iota {dimensions = array<i32: 1>} : vector<512x16xi32>
    %slice3A_354 = vector.extract_strided_slice %select_n3A_129 {offsets = [1536, 0], sizes = [512, 1], strides = [1, 1]} : vector<2048x1xi32> to vector<512x1xi32>
    %eq3A_355 = vector.broadcast %slice3A_354 : vector<512x1xi32> to vector<512x16xi32>
    %eq3A_356 = arith.cmpi eq, %iota3A_353, %eq3A_355 : vector<512x16xi32>
    %jit3A_357 = arith.constant 0.000000e+00 : f32
    %broadcast_in_dim3A_358 = vector.broadcast %jit3A_357 : f32 to vector<512x16xf32>
    %select_n3A_359 = arith.select %eq3A_356, %add3A_352, %broadcast_in_dim3A_358 : vector<512x16xi1>, vector<512x16xf32>
    %reduce_sum3A_360 = arith.constant dense<0.000000e+00> : vector<512xf32>
    %reduce_sum3A_361 = vector.multi_reduction <add>, %select_n3A_359, %reduce_sum3A_360 [1] : vector<512x16xf32> to vector<512xf32>
    %broadcast_in_dim3A_362 = vector.shape_cast %reduce_sum3A_361 : vector<512xf32> to vector<512x1xf32>
    %slice3A_363 = vector.extract_strided_slice %select_n3A_133 {offsets = [1536, 0], sizes = [512, 1], strides = [1, 1]} : vector<2048x1xi32> to vector<512x1xi32>
    %eq3A_364 = vector.broadcast %slice3A_363 : vector<512x1xi32> to vector<512x16xi32>
    %eq3A_365 = arith.cmpi eq, %iota3A_353, %eq3A_364 : vector<512x16xi32>
    %slice3A_366 = vector.extract_strided_slice %select_n3A_129 {offsets = [1536, 0], sizes = [512, 1], strides = [1, 1]} : vector<2048x1xi32> to vector<512x1xi32>
    %slice3A_367 = vector.extract_strided_slice %select_n3A_133 {offsets = [1536, 0], sizes = [512, 1], strides = [1, 1]} : vector<2048x1xi32> to vector<512x1xi32>
    %eq3A_368 = arith.cmpi eq, %slice3A_366, %slice3A_367 : vector<512x1xi32>
    %convert_element_type3A_369 = arith.extui %eq3A_368 : vector<512x1xi1> to vector<512x1xi32>
    %convert_element_type3A_370 = arith.sitofp %convert_element_type3A_369 : vector<512x1xi32> to vector<512x1xf32>
    %add3A_371 = vector.broadcast %convert_element_type3A_370 : vector<512x1xf32> to vector<512x16xf32>
    %add3A_372 = arith.addf %add3A_352, %add3A_371 : vector<512x16xf32>
    %jit3A_373 = arith.constant 0.000000e+00 : f32
    %broadcast_in_dim3A_374 = vector.broadcast %jit3A_373 : f32 to vector<512x16xf32>
    %select_n3A_375 = arith.select %eq3A_365, %add3A_372, %broadcast_in_dim3A_374 : vector<512x16xi1>, vector<512x16xf32>
    %reduce_sum3A_376 = arith.constant dense<0.000000e+00> : vector<512xf32>
    %reduce_sum3A_377 = vector.multi_reduction <add>, %select_n3A_375, %reduce_sum3A_376 [1] : vector<512x16xf32> to vector<512xf32>
    %broadcast_in_dim3A_378 = vector.shape_cast %reduce_sum3A_377 : vector<512xf32> to vector<512x1xf32>
    %convert_element_type3A_379 = arith.fptosi %broadcast_in_dim3A_362 : vector<512x1xf32> to vector<512x1xi32>
    %swap3A_380 = arith.constant 1536 : index
    %swap3A_381 = arith.constant 0 : index
    %swap3A_382 = vector.load %arg4[%swap3A_380, %swap3A_381] : memref<2048x1xi32, #tpu.memory_space<vmem>>, vector<512x1xi32>
    tpu.vector_store %arg4[%swap3A_380, %swap3A_381], %convert_element_type3A_379 {strides = array<i32>} : memref<2048x1xi32, #tpu.memory_space<vmem>>, vector<512x1xi32>,
    %convert_element_type3A_383 = arith.fptosi %broadcast_in_dim3A_378 : vector<512x1xf32> to vector<512x1xi32>
    %swap3A_384 = arith.constant 1536 : index
    %swap3A_385 = arith.constant 0 : index
    %swap3A_386 = vector.load %arg5[%swap3A_384, %swap3A_385] : memref<2048x1xi32, #tpu.memory_space<vmem>>, vector<512x1xi32>
    tpu.vector_store %arg5[%swap3A_384, %swap3A_385], %convert_element_type3A_383 {strides = array<i32>} : memref<2048x1xi32, #tpu.memory_space<vmem>>, vector<512x1xi32>,
    %iota3A_387 = tpu.iota {dimensions = array<i32: 1>} : vector<1x128xi32>
    %mul3A_388 = arith.constant 256 : i32
    %mul3A_389 = vector.broadcast %mul3A_388 : i32 to vector<1x128xi32>
    %mul3A_390 = arith.muli %iota3A_387, %mul3A_389 : vector<1x128xi32>
    %convert_element_type3A_391 = arith.sitofp %mul3A_390 : vector<1x128xi32> to vector<1x128xf32>
    %broadcast_in_dim3A_392 = arith.constant 0.000000e+00 : f32
    %broadcast_in_dim3A_393 = vector.broadcast %broadcast_in_dim3A_392 : f32 to vector<1x128xf32>
    %slice3A_394 = vector.extract_strided_slice %dot_general3A_242 {offsets = [0, 0], sizes = [1, 1], strides = [1, 1]} : vector<1x16xf32> to vector<1x1xf32>
    %le3A = vector.broadcast %slice3A_394 : vector<1x1xf32> to vector<1x128xf32>
    %le3A_395 = arith.cmpf ole, %le3A, %convert_element_type3A_391 : vector<1x128xf32>
    %convert_element_type3A_396 = arith.extui %le3A_395 : vector<1x128xi1> to vector<1x128xi32>
    %convert_element_type3A_397 = arith.sitofp %convert_element_type3A_396 : vector<1x128xi32> to vector<1x128xf32>
    %add3A_398 = arith.addf %broadcast_in_dim3A_393, %convert_element_type3A_397 : vector<1x128xf32>
    %slice3A_399 = vector.extract_strided_slice %dot_general3A_242 {offsets = [0, 1], sizes = [1, 1], strides = [1, 1]} : vector<1x16xf32> to vector<1x1xf32>
    %le3A_400 = vector.broadcast %slice3A_399 : vector<1x1xf32> to vector<1x128xf32>
    %le3A_401 = arith.cmpf ole, %le3A_400, %convert_element_type3A_391 : vector<1x128xf32>
    %convert_element_type3A_402 = arith.extui %le3A_401 : vector<1x128xi1> to vector<1x128xi32>
    %convert_element_type3A_403 = arith.sitofp %convert_element_type3A_402 : vector<1x128xi32> to vector<1x128xf32>
    %add3A_404 = arith.addf %add3A_398, %convert_element_type3A_403 : vector<1x128xf32>
    %slice3A_405 = vector.extract_strided_slice %dot_general3A_242 {offsets = [0, 2], sizes = [1, 1], strides = [1, 1]} : vector<1x16xf32> to vector<1x1xf32>
    %le3A_406 = vector.broadcast %slice3A_405 : vector<1x1xf32> to vector<1x128xf32>
    %le3A_407 = arith.cmpf ole, %le3A_406, %convert_element_type3A_391 : vector<1x128xf32>
    %convert_element_type3A_408 = arith.extui %le3A_407 : vector<1x128xi1> to vector<1x128xi32>
    %convert_element_type3A_409 = arith.sitofp %convert_element_type3A_408 : vector<1x128xi32> to vector<1x128xf32>
    %add3A_410 = arith.addf %add3A_404, %convert_element_type3A_409 : vector<1x128xf32>
    %slice3A_411 = vector.extract_strided_slice %dot_general3A_242 {offsets = [0, 3], sizes = [1, 1], strides = [1, 1]} : vector<1x16xf32> to vector<1x1xf32>
    %le3A_412 = vector.broadcast %slice3A_411 : vector<1x1xf32> to vector<1x128xf32>
    %le3A_413 = arith.cmpf ole, %le3A_412, %convert_element_type3A_391 : vector<1x128xf32>
    %convert_element_type3A_414 = arith.extui %le3A_413 : vector<1x128xi1> to vector<1x128xi32>
    %convert_element_type3A_415 = arith.sitofp %convert_element_type3A_414 : vector<1x128xi32> to vector<1x128xf32>
    %add3A_416 = arith.addf %add3A_410, %convert_element_type3A_415 : vector<1x128xf32>
    %slice3A_417 = vector.extract_strided_slice %dot_general3A_242 {offsets = [0, 4], sizes = [1, 1], strides = [1, 1]} : vector<1x16xf32> to vector<1x1xf32>
    %le3A_418 = vector.broadcast %slice3A_417 : vector<1x1xf32> to vector<1x128xf32>
    %le3A_419 = arith.cmpf ole, %le3A_418, %convert_element_type3A_391 : vector<1x128xf32>
    %convert_element_type3A_420 = arith.extui %le3A_419 : vector<1x128xi1> to vector<1x128xi32>
    %convert_element_type3A_421 = arith.sitofp %convert_element_type3A_420 : vector<1x128xi32> to vector<1x128xf32>
    %add3A_422 = arith.addf %add3A_416, %convert_element_type3A_421 : vector<1x128xf32>
    %slice3A_423 = vector.extract_strided_slice %dot_general3A_242 {offsets = [0, 5], sizes = [1, 1], strides = [1, 1]} : vector<1x16xf32> to vector<1x1xf32>
    %le3A_424 = vector.broadcast %slice3A_423 : vector<1x1xf32> to vector<1x128xf32>
    %le3A_425 = arith.cmpf ole, %le3A_424, %convert_element_type3A_391 : vector<1x128xf32>
    %convert_element_type3A_426 = arith.extui %le3A_425 : vector<1x128xi1> to vector<1x128xi32>
    %convert_element_type3A_427 = arith.sitofp %convert_element_type3A_426 : vector<1x128xi32> to vector<1x128xf32>
    %add3A_428 = arith.addf %add3A_422, %convert_element_type3A_427 : vector<1x128xf32>
    %slice3A_429 = vector.extract_strided_slice %dot_general3A_242 {offsets = [0, 6], sizes = [1, 1], strides = [1, 1]} : vector<1x16xf32> to vector<1x1xf32>
    %le3A_430 = vector.broadcast %slice3A_429 : vector<1x1xf32> to vector<1x128xf32>
    %le3A_431 = arith.cmpf ole, %le3A_430, %convert_element_type3A_391 : vector<1x128xf32>
    %convert_element_type3A_432 = arith.extui %le3A_431 : vector<1x128xi1> to vector<1x128xi32>
    %convert_element_type3A_433 = arith.sitofp %convert_element_type3A_432 : vector<1x128xi32> to vector<1x128xf32>
    %add3A_434 = arith.addf %add3A_428, %convert_element_type3A_433 : vector<1x128xf32>
    %slice3A_435 = vector.extract_strided_slice %dot_general3A_242 {offsets = [0, 7], sizes = [1, 1], strides = [1, 1]} : vector<1x16xf32> to vector<1x1xf32>
    %le3A_436 = vector.broadcast %slice3A_435 : vector<1x1xf32> to vector<1x128xf32>
    %le3A_437 = arith.cmpf ole, %le3A_436, %convert_element_type3A_391 : vector<1x128xf32>
    %convert_element_type3A_438 = arith.extui %le3A_437 : vector<1x128xi1> to vector<1x128xi32>
    %convert_element_type3A_439 = arith.sitofp %convert_element_type3A_438 : vector<1x128xi32> to vector<1x128xf32>
    %add3A_440 = arith.addf %add3A_434, %convert_element_type3A_439 : vector<1x128xf32>
    %slice3A_441 = vector.extract_strided_slice %dot_general3A_242 {offsets = [0, 8], sizes = [1, 1], strides = [1, 1]} : vector<1x16xf32> to vector<1x1xf32>
    %le3A_442 = vector.broadcast %slice3A_441 : vector<1x1xf32> to vector<1x128xf32>
    %le3A_443 = arith.cmpf ole, %le3A_442, %convert_element_type3A_391 : vector<1x128xf32>
    %convert_element_type3A_444 = arith.extui %le3A_443 : vector<1x128xi1> to vector<1x128xi32>
    %convert_element_type3A_445 = arith.sitofp %convert_element_type3A_444 : vector<1x128xi32> to vector<1x128xf32>
    %add3A_446 = arith.addf %add3A_440, %convert_element_type3A_445 : vector<1x128xf32>
    %slice3A_447 = vector.extract_strided_slice %dot_general3A_242 {offsets = [0, 9], sizes = [1, 1], strides = [1, 1]} : vector<1x16xf32> to vector<1x1xf32>
    %le3A_448 = vector.broadcast %slice3A_447 : vector<1x1xf32> to vector<1x128xf32>
    %le3A_449 = arith.cmpf ole, %le3A_448, %convert_element_type3A_391 : vector<1x128xf32>
    %convert_element_type3A_450 = arith.extui %le3A_449 : vector<1x128xi1> to vector<1x128xi32>
    %convert_element_type3A_451 = arith.sitofp %convert_element_type3A_450 : vector<1x128xi32> to vector<1x128xf32>
    %add3A_452 = arith.addf %add3A_446, %convert_element_type3A_451 : vector<1x128xf32>
    %slice3A_453 = vector.extract_strided_slice %dot_general3A_242 {offsets = [0, 10], sizes = [1, 1], strides = [1, 1]} : vector<1x16xf32> to vector<1x1xf32>
    %le3A_454 = vector.broadcast %slice3A_453 : vector<1x1xf32> to vector<1x128xf32>
    %le3A_455 = arith.cmpf ole, %le3A_454, %convert_element_type3A_391 : vector<1x128xf32>
    %convert_element_type3A_456 = arith.extui %le3A_455 : vector<1x128xi1> to vector<1x128xi32>
    %convert_element_type3A_457 = arith.sitofp %convert_element_type3A_456 : vector<1x128xi32> to vector<1x128xf32>
    %add3A_458 = arith.addf %add3A_452, %convert_element_type3A_457 : vector<1x128xf32>
    %slice3A_459 = vector.extract_strided_slice %dot_general3A_242 {offsets = [0, 11], sizes = [1, 1], strides = [1, 1]} : vector<1x16xf32> to vector<1x1xf32>
    %le3A_460 = vector.broadcast %slice3A_459 : vector<1x1xf32> to vector<1x128xf32>
    %le3A_461 = arith.cmpf ole, %le3A_460, %convert_element_type3A_391 : vector<1x128xf32>
    %convert_element_type3A_462 = arith.extui %le3A_461 : vector<1x128xi1> to vector<1x128xi32>
    %convert_element_type3A_463 = arith.sitofp %convert_element_type3A_462 : vector<1x128xi32> to vector<1x128xf32>
    %add3A_464 = arith.addf %add3A_458, %convert_element_type3A_463 : vector<1x128xf32>
    %slice3A_465 = vector.extract_strided_slice %dot_general3A_242 {offsets = [0, 12], sizes = [1, 1], strides = [1, 1]} : vector<1x16xf32> to vector<1x1xf32>
    %le3A_466 = vector.broadcast %slice3A_465 : vector<1x1xf32> to vector<1x128xf32>
    %le3A_467 = arith.cmpf ole, %le3A_466, %convert_element_type3A_391 : vector<1x128xf32>
    %convert_element_type3A_468 = arith.extui %le3A_467 : vector<1x128xi1> to vector<1x128xi32>
    %convert_element_type3A_469 = arith.sitofp %convert_element_type3A_468 : vector<1x128xi32> to vector<1x128xf32>
    %add3A_470 = arith.addf %add3A_464, %convert_element_type3A_469 : vector<1x128xf32>
    %slice3A_471 = vector.extract_strided_slice %dot_general3A_242 {offsets = [0, 13], sizes = [1, 1], strides = [1, 1]} : vector<1x16xf32> to vector<1x1xf32>
    %le3A_472 = vector.broadcast %slice3A_471 : vector<1x1xf32> to vector<1x128xf32>
    %le3A_473 = arith.cmpf ole, %le3A_472, %convert_element_type3A_391 : vector<1x128xf32>
    %convert_element_type3A_474 = arith.extui %le3A_473 : vector<1x128xi1> to vector<1x128xi32>
    %convert_element_type3A_475 = arith.sitofp %convert_element_type3A_474 : vector<1x128xi32> to vector<1x128xf32>
    %add3A_476 = arith.addf %add3A_470, %convert_element_type3A_475 : vector<1x128xf32>
    %slice3A_477 = vector.extract_strided_slice %dot_general3A_242 {offsets = [0, 14], sizes = [1, 1], strides = [1, 1]} : vector<1x16xf32> to vector<1x1xf32>
    %le3A_478 = vector.broadcast %slice3A_477 : vector<1x1xf32> to vector<1x128xf32>
    %le3A_479 = arith.cmpf ole, %le3A_478, %convert_element_type3A_391 : vector<1x128xf32>
    %convert_element_type3A_480 = arith.extui %le3A_479 : vector<1x128xi1> to vector<1x128xi32>
    %convert_element_type3A_481 = arith.sitofp %convert_element_type3A_480 : vector<1x128xi32> to vector<1x128xf32>
    %add3A_482 = arith.addf %add3A_476, %convert_element_type3A_481 : vector<1x128xf32>
    %slice3A_483 = vector.extract_strided_slice %dot_general3A_242 {offsets = [0, 15], sizes = [1, 1], strides = [1, 1]} : vector<1x16xf32> to vector<1x1xf32>
    %le3A_484 = vector.broadcast %slice3A_483 : vector<1x1xf32> to vector<1x128xf32>
    %le3A_485 = arith.cmpf ole, %le3A_484, %convert_element_type3A_391 : vector<1x128xf32>
    %convert_element_type3A_486 = arith.extui %le3A_485 : vector<1x128xi1> to vector<1x128xi32>
    %convert_element_type3A_487 = arith.sitofp %convert_element_type3A_486 : vector<1x128xi32> to vector<1x128xf32>
    %add3A_488 = arith.addf %add3A_482, %convert_element_type3A_487 : vector<1x128xf32>
    %slice3A_489 = vector.extract_strided_slice %dot_general3A_242 {offsets = [0, 15], sizes = [1, 1], strides = [1, 1]} : vector<1x16xf32> to vector<1x1xf32>
    %slice3A_490 = vector.extract_strided_slice %mul3A_233 {offsets = [0, 15], sizes = [1, 1], strides = [1, 1]} : vector<1x16xf32> to vector<1x1xf32>
    %add3A_491 = arith.addf %slice3A_489, %slice3A_490 : vector<1x1xf32>
    %div3A_492 = arith.constant 2.560000e+02 : f32
    %div3A_493 = vector.broadcast %div3A_492 : f32 to vector<1x1xf32>
    %div3A_494 = arith.divf %add3A_491, %div3A_493 : vector<1x1xf32>
    %div3A_495 = arith.constant 2.560000e+02 : f32
    %div3A_496 = vector.broadcast %div3A_495 : f32 to vector<1x128xf32>
    %div3A_497 = arith.divf %convert_element_type3A_391, %div3A_496 : vector<1x128xf32>
    %lt3A_498 = vector.broadcast %div3A_494 : vector<1x1xf32> to vector<1x128xf32>
    %lt3A_499 = arith.cmpf olt, %div3A_497, %lt3A_498 : vector<1x128xf32>
    %sub3A_500 = arith.constant 1.000000e+00 : f32
    %sub3A_501 = vector.broadcast %sub3A_500 : f32 to vector<1x128xf32>
    %sub3A_502 = arith.subf %add3A_488, %sub3A_501 : vector<1x128xf32>
    %jit3A_503 = arith.constant 1.600000e+01 : f32
    %broadcast_in_dim3A_504 = vector.broadcast %jit3A_503 : f32 to vector<1x128xf32>
    %select_n3A_505 = arith.select %lt3A_499, %sub3A_502, %broadcast_in_dim3A_504 : vector<1x128xi1>, vector<1x128xf32>
    %convert_element_type3A_506 = arith.fptosi %select_n3A_505 : vector<1x128xf32> to vector<1x128xi32>
    %swap3A_507 = arith.constant 0 : index
    %swap3A_508 = arith.constant 0 : index
    %swap3A_509 = vector.load %arg8[%swap3A_507, %swap3A_508] : memref<1x128xi32, #tpu.memory_space<vmem>>, vector<1x128xi32>
    tpu.vector_store %arg8[%swap3A_507, %swap3A_508], %convert_element_type3A_506 {strides = array<i32>} : memref<1x128xi32, #tpu.memory_space<vmem>>, vector<1x128xi32>,
    return
  }
}

module attributes {stable_mosaic.version = 14 : i64} {
  func.func @_shared_body(%arg0: i32, %arg1: memref<512x1024xbf16, #tpu.memory_space<vmem>>, %arg2: memref<1024x512xf32, #tpu.memory_space<vmem>>, %arg3: memref<1024x512xf32, #tpu.memory_space<vmem>>, %arg4: memref<512x1024xf32, #tpu.memory_space<vmem>>, %arg5: memref<512x1024xf32, #tpu.memory_space<vmem>>) attributes {dimension_semantics = [#tpu.dimension_semantics<arbitrary>], iteration_bounds = array<i64: 4>, scalar_prefetch = 0 : i64, scratch_operands = 0 : i64, tpu.core_type = #tpu.core_type<tc>, window_params = [{transform_indices = @transform_0, window_bounds = array<i64: 512, 1024>}, {pipeline_mode = #tpu.pipeline_mode<synchronous>, transform_indices = @transform_1, window_bounds = array<i64: 1024, 512>}, {pipeline_mode = #tpu.pipeline_mode<synchronous>, transform_indices = @transform_2, window_bounds = array<i64: 1024, 512>}, {pipeline_mode = #tpu.pipeline_mode<synchronous>, transform_indices = @transform_3, window_bounds = array<i64: 512, 1024>}, {transform_indices = @transform_4, window_bounds = array<i64: 512, 1024>}]} {
    %get3A = arith.constant 0 : index
    %get3A_0 = arith.constant 0 : index
    %get3A_1 = vector.load %arg1[%get3A, %get3A_0] : memref<512x1024xbf16, #tpu.memory_space<vmem>>, vector<512x1024xbf16>
    %get3A_2 = arith.constant 0 : index
    %get3A_3 = arith.constant 0 : index
    %get3A_4 = vector.load %arg2[%get3A_2, %get3A_3] : memref<1024x512xf32, #tpu.memory_space<vmem>>, vector<1024x512xf32>
    %get3A_5 = arith.constant 0 : index
    %get3A_6 = arith.constant 0 : index
    %get3A_7 = vector.load %arg3[%get3A_5, %get3A_6] : memref<1024x512xf32, #tpu.memory_space<vmem>>, vector<1024x512xf32>
    %get3A_8 = arith.constant 0 : index
    %get3A_9 = arith.constant 0 : index
    %get3A_10 = vector.load %arg4[%get3A_8, %get3A_9] : memref<512x1024xf32, #tpu.memory_space<vmem>>, vector<512x1024xf32>
    %convert_element_type3A = arith.truncf %get3A_4 : vector<1024x512xf32> to vector<1024x512xbf16>
    %dot_general3A = arith.constant dense<0.000000e+00> : vector<512x512xf32>
    %dot_general3A_11 = tpu.matmul %get3A_1, %convert_element_type3A, %dot_general3A {dimension_numbers = #tpu.dot_dimension_numbers<[1], [0], [0], [1], [0, 0, 1, 1], [], []>, transpose_lhs_hint = false} : vector<512x1024xbf16>, vector<1024x512xbf16>, vector<512x512xf32> -> vector<512x512xf32>
    %convert_element_type3A_12 = arith.truncf %get3A_7 : vector<1024x512xf32> to vector<1024x512xbf16>
    %dot_general3A_13 = arith.constant dense<0.000000e+00> : vector<512x512xf32>
    %dot_general3A_14 = tpu.matmul %get3A_1, %convert_element_type3A_12, %dot_general3A_13 {dimension_numbers = #tpu.dot_dimension_numbers<[1], [0], [0], [1], [0, 0, 1, 1], [], []>, transpose_lhs_hint = false} : vector<512x1024xbf16>, vector<1024x512xbf16>, vector<512x512xf32> -> vector<512x512xf32>
    %logistic3A = arith.negf %dot_general3A_11 : vector<512x512xf32>
    %logistic3A_15 = math.exp %logistic3A : vector<512x512xf32>
    %logistic3A_16 = arith.constant 1.000000e+00 : f32
    %logistic3A_17 = vector.broadcast %logistic3A_16 : f32 to vector<512x512xf32>
    %logistic3A_18 = arith.addf %logistic3A_17, %logistic3A_15 : vector<512x512xf32>
    %logistic3A_19 = arith.divf %logistic3A_17, %logistic3A_18 : vector<512x512xf32>
    %mul3A = arith.mulf %dot_general3A_11, %logistic3A_19 : vector<512x512xf32>
    %mul3A_20 = arith.mulf %mul3A, %dot_general3A_14 : vector<512x512xf32>
    %convert_element_type3A_21 = arith.truncf %mul3A_20 : vector<512x512xf32> to vector<512x512xbf16>
    %convert_element_type3A_22 = arith.truncf %get3A_10 : vector<512x1024xf32> to vector<512x1024xbf16>
    %dot_general3A_23 = arith.constant dense<0.000000e+00> : vector<512x1024xf32>
    %dot_general3A_24 = tpu.matmul %convert_element_type3A_21, %convert_element_type3A_22, %dot_general3A_23 {dimension_numbers = #tpu.dot_dimension_numbers<[1], [0], [0], [1], [0, 0, 1, 1], [], []>, transpose_lhs_hint = false} : vector<512x512xbf16>, vector<512x1024xbf16>, vector<512x1024xf32> -> vector<512x1024xf32>
    %swap3A = arith.constant 0 : index
    %swap3A_25 = arith.constant 0 : index
    %swap3A_26 = vector.load %arg5[%swap3A, %swap3A_25] : memref<512x1024xf32, #tpu.memory_space<vmem>>, vector<512x1024xf32>
    tpu.vector_store %arg5[%swap3A, %swap3A_25], %dot_general3A_24 {strides = array<i32>} : memref<512x1024xf32, #tpu.memory_space<vmem>>, vector<512x1024xf32>,
    return
  }
  func.func @transform_0(%arg0: i32) -> (i32, i32) {
    %c0_i32 = arith.constant 0 : i32
    %c0_i32_0 = arith.constant 0 : i32
    return %arg0, %c0_i32 : i32, i32
  }
  func.func @transform_1(%arg0: i32) -> (i32, i32) {
    %c0_i32 = arith.constant 0 : i32
    %c0_i32_0 = arith.constant 0 : i32
    %c0_i32_1 = arith.constant 0 : i32
    return %c0_i32, %c0_i32_0 : i32, i32
  }
  func.func @transform_2(%arg0: i32) -> (i32, i32) {
    %c0_i32 = arith.constant 0 : i32
    %c0_i32_0 = arith.constant 0 : i32
    %c0_i32_1 = arith.constant 0 : i32
    return %c0_i32, %c0_i32_0 : i32, i32
  }
  func.func @transform_3(%arg0: i32) -> (i32, i32) {
    %c0_i32 = arith.constant 0 : i32
    %c0_i32_0 = arith.constant 0 : i32
    %c0_i32_1 = arith.constant 0 : i32
    return %c0_i32, %c0_i32_0 : i32, i32
  }
  func.func @transform_4(%arg0: i32) -> (i32, i32) {
    %c0_i32 = arith.constant 0 : i32
    %c0_i32_0 = arith.constant 0 : i32
    return %arg0, %c0_i32 : i32, i32
  }
}

module attributes {stable_mosaic.version = 14 : i64} {
  func.func @_gmm_body(%arg0: i32, %arg1: memref<1x128xi32, #tpu.memory_space<smem>>, %arg2: memref<256x1024xf32, #tpu.memory_space<vmem>>, %arg3: memref<1x1024x512xf32, #tpu.memory_space<vmem>>, %arg4: memref<1x1024x512xf32, #tpu.memory_space<vmem>>, %arg5: memref<1x512x1024xf32, #tpu.memory_space<vmem>>, %arg6: memref<1x1024x512xf32, #tpu.memory_space<vmem>>, %arg7: memref<1x1024x512xf32, #tpu.memory_space<vmem>>, %arg8: memref<1x512x1024xf32, #tpu.memory_space<vmem>>, %arg9: memref<256x1024xf32, #tpu.memory_space<vmem>>) attributes {dimension_semantics = [#tpu.dimension_semantics<arbitrary>], iteration_bounds = array<i64: 32>, scalar_prefetch = 1 : i64, scratch_operands = 0 : i64, tpu.core_type = #tpu.core_type<tc>, window_params = [{transform_indices = @transform_0, window_bounds = array<i64: 256, 1024>}, {transform_indices = @transform_1, window_bounds = array<i64: 1, 1024, 512>}, {transform_indices = @transform_2, window_bounds = array<i64: 1, 1024, 512>}, {transform_indices = @transform_3, window_bounds = array<i64: 1, 512, 1024>}, {transform_indices = @transform_4, window_bounds = array<i64: 1, 1024, 512>}, {transform_indices = @transform_5, window_bounds = array<i64: 1, 1024, 512>}, {transform_indices = @transform_6, window_bounds = array<i64: 1, 512, 1024>}, {transform_indices = @transform_7, window_bounds = array<i64: 256, 1024>}]} {
    %get3A = arith.constant 0 : index
    %get3A_0 = arith.index_cast %arg0 : i32 to index
    %get3A_1 = memref.load %arg1[%get3A, %get3A_0] : memref<1x128xi32, #tpu.memory_space<smem>>
    %get3A_2 = arith.constant 0 : index
    %get3A_3 = arith.constant 0 : index
    %get3A_4 = vector.load %arg2[%get3A_2, %get3A_3] : memref<256x1024xf32, #tpu.memory_space<vmem>>, vector<256x1024xf32>
    %convert_element_type3A = arith.truncf %get3A_4 : vector<256x1024xf32> to vector<256x1024xbf16>
    %lt3A = arith.constant 8 : i32
    %lt3A_5 = arith.cmpi slt, %get3A_1, %lt3A : i32
    %convert_element_type3A_6 = arith.extui %lt3A_5 : i1 to i32
    %cond3A = arith.constant 0 : i32
    %cond3A_7 = arith.cmpi ne, %convert_element_type3A_6, %cond3A : i32
    scf.if %cond3A_7 {
      %get3A_14 = arith.constant 0 : index
      %get3A_15 = arith.constant 0 : index
      %get3A_16 = arith.constant 0 : index
      %get3A_17 = vector.load %arg3[%get3A_14, %get3A_15, %get3A_16] : memref<1x1024x512xf32, #tpu.memory_space<vmem>>, vector<1x1024x512xf32>
      %get3A_18 = vector.shape_cast %get3A_17 : vector<1x1024x512xf32> to vector<1024x512xf32>
      %get3A_19 = arith.constant 0 : index
      %get3A_20 = arith.constant 0 : index
      %get3A_21 = arith.constant 0 : index
      %get3A_22 = vector.load %arg4[%get3A_19, %get3A_20, %get3A_21] : memref<1x1024x512xf32, #tpu.memory_space<vmem>>, vector<1x1024x512xf32>
      %get3A_23 = vector.shape_cast %get3A_22 : vector<1x1024x512xf32> to vector<1024x512xf32>
      %get3A_24 = arith.constant 0 : index
      %get3A_25 = arith.constant 0 : index
      %get3A_26 = arith.constant 0 : index
      %get3A_27 = vector.load %arg5[%get3A_24, %get3A_25, %get3A_26] : memref<1x512x1024xf32, #tpu.memory_space<vmem>>, vector<1x512x1024xf32>
      %get3A_28 = vector.shape_cast %get3A_27 : vector<1x512x1024xf32> to vector<512x1024xf32>
      %convert_element_type3A_29 = arith.truncf %get3A_18 : vector<1024x512xf32> to vector<1024x512xbf16>
      %dot_general3A = arith.constant dense<0.000000e+00> : vector<256x512xf32>
      %dot_general3A_30 = tpu.matmul %convert_element_type3A, %convert_element_type3A_29, %dot_general3A {dimension_numbers = #tpu.dot_dimension_numbers<[1], [0], [0], [1], [0, 0, 1, 1], [], []>, transpose_lhs_hint = false} : vector<256x1024xbf16>, vector<1024x512xbf16>, vector<256x512xf32> -> vector<256x512xf32>
      %convert_element_type3A_31 = arith.truncf %get3A_23 : vector<1024x512xf32> to vector<1024x512xbf16>
      %dot_general3A_32 = arith.constant dense<0.000000e+00> : vector<256x512xf32>
      %dot_general3A_33 = tpu.matmul %convert_element_type3A, %convert_element_type3A_31, %dot_general3A_32 {dimension_numbers = #tpu.dot_dimension_numbers<[1], [0], [0], [1], [0, 0, 1, 1], [], []>, transpose_lhs_hint = false} : vector<256x1024xbf16>, vector<1024x512xbf16>, vector<256x512xf32> -> vector<256x512xf32>
      %logistic3A = arith.negf %dot_general3A_30 : vector<256x512xf32>
      %logistic3A_34 = math.exp %logistic3A : vector<256x512xf32>
      %logistic3A_35 = arith.constant 1.000000e+00 : f32
      %logistic3A_36 = vector.broadcast %logistic3A_35 : f32 to vector<256x512xf32>
      %logistic3A_37 = arith.addf %logistic3A_36, %logistic3A_34 : vector<256x512xf32>
      %logistic3A_38 = arith.divf %logistic3A_36, %logistic3A_37 : vector<256x512xf32>
      %mul3A = arith.mulf %dot_general3A_30, %logistic3A_38 : vector<256x512xf32>
      %mul3A_39 = arith.mulf %mul3A, %dot_general3A_33 : vector<256x512xf32>
      %convert_element_type3A_40 = arith.truncf %mul3A_39 : vector<256x512xf32> to vector<256x512xbf16>
      %convert_element_type3A_41 = arith.truncf %get3A_28 : vector<512x1024xf32> to vector<512x1024xbf16>
      %dot_general3A_42 = arith.constant dense<0.000000e+00> : vector<256x1024xf32>
      %dot_general3A_43 = tpu.matmul %convert_element_type3A_40, %convert_element_type3A_41, %dot_general3A_42 {dimension_numbers = #tpu.dot_dimension_numbers<[1], [0], [0], [1], [0, 0, 1, 1], [], []>, transpose_lhs_hint = false} : vector<256x512xbf16>, vector<512x1024xbf16>, vector<256x1024xf32> -> vector<256x1024xf32>
      %swap3A = arith.constant 0 : index
      %swap3A_44 = arith.constant 0 : index
      %swap3A_45 = vector.load %arg9[%swap3A, %swap3A_44] : memref<256x1024xf32, #tpu.memory_space<vmem>>, vector<256x1024xf32>
      tpu.vector_store %arg9[%swap3A, %swap3A_44], %dot_general3A_43 {strides = array<i32>} : memref<256x1024xf32, #tpu.memory_space<vmem>>, vector<256x1024xf32>,
    } else {
    }
    %ge3A = arith.constant 8 : i32
    %ge3A_8 = arith.cmpi sge, %get3A_1, %ge3A : i32
    %lt3A_9 = arith.constant 16 : i32
    %lt3A_10 = arith.cmpi slt, %get3A_1, %lt3A_9 : i32
    %and3A = arith.andi %ge3A_8, %lt3A_10 : i1
    %convert_element_type3A_11 = arith.extui %and3A : i1 to i32
    %cond3A_12 = arith.constant 0 : i32
    %cond3A_13 = arith.cmpi ne, %convert_element_type3A_11, %cond3A_12 : i32
    scf.if %cond3A_13 {
      %get3A_14 = arith.constant 0 : index
      %get3A_15 = arith.constant 0 : index
      %get3A_16 = arith.constant 0 : index
      %get3A_17 = vector.load %arg6[%get3A_14, %get3A_15, %get3A_16] : memref<1x1024x512xf32, #tpu.memory_space<vmem>>, vector<1x1024x512xf32>
      %get3A_18 = vector.shape_cast %get3A_17 : vector<1x1024x512xf32> to vector<1024x512xf32>
      %get3A_19 = arith.constant 0 : index
      %get3A_20 = arith.constant 0 : index
      %get3A_21 = arith.constant 0 : index
      %get3A_22 = vector.load %arg7[%get3A_19, %get3A_20, %get3A_21] : memref<1x1024x512xf32, #tpu.memory_space<vmem>>, vector<1x1024x512xf32>
      %get3A_23 = vector.shape_cast %get3A_22 : vector<1x1024x512xf32> to vector<1024x512xf32>
      %get3A_24 = arith.constant 0 : index
      %get3A_25 = arith.constant 0 : index
      %get3A_26 = arith.constant 0 : index
      %get3A_27 = vector.load %arg8[%get3A_24, %get3A_25, %get3A_26] : memref<1x512x1024xf32, #tpu.memory_space<vmem>>, vector<1x512x1024xf32>
      %get3A_28 = vector.shape_cast %get3A_27 : vector<1x512x1024xf32> to vector<512x1024xf32>
      %convert_element_type3A_29 = arith.truncf %get3A_18 : vector<1024x512xf32> to vector<1024x512xbf16>
      %dot_general3A = arith.constant dense<0.000000e+00> : vector<256x512xf32>
      %dot_general3A_30 = tpu.matmul %convert_element_type3A, %convert_element_type3A_29, %dot_general3A {dimension_numbers = #tpu.dot_dimension_numbers<[1], [0], [0], [1], [0, 0, 1, 1], [], []>, transpose_lhs_hint = false} : vector<256x1024xbf16>, vector<1024x512xbf16>, vector<256x512xf32> -> vector<256x512xf32>
      %convert_element_type3A_31 = arith.truncf %get3A_23 : vector<1024x512xf32> to vector<1024x512xbf16>
      %dot_general3A_32 = arith.constant dense<0.000000e+00> : vector<256x512xf32>
      %dot_general3A_33 = tpu.matmul %convert_element_type3A, %convert_element_type3A_31, %dot_general3A_32 {dimension_numbers = #tpu.dot_dimension_numbers<[1], [0], [0], [1], [0, 0, 1, 1], [], []>, transpose_lhs_hint = false} : vector<256x1024xbf16>, vector<1024x512xbf16>, vector<256x512xf32> -> vector<256x512xf32>
      %logistic3A = arith.negf %dot_general3A_30 : vector<256x512xf32>
      %logistic3A_34 = math.exp %logistic3A : vector<256x512xf32>
      %logistic3A_35 = arith.constant 1.000000e+00 : f32
      %logistic3A_36 = vector.broadcast %logistic3A_35 : f32 to vector<256x512xf32>
      %logistic3A_37 = arith.addf %logistic3A_36, %logistic3A_34 : vector<256x512xf32>
      %logistic3A_38 = arith.divf %logistic3A_36, %logistic3A_37 : vector<256x512xf32>
      %mul3A = arith.mulf %dot_general3A_30, %logistic3A_38 : vector<256x512xf32>
      %mul3A_39 = arith.mulf %mul3A, %dot_general3A_33 : vector<256x512xf32>
      %convert_element_type3A_40 = arith.truncf %mul3A_39 : vector<256x512xf32> to vector<256x512xbf16>
      %convert_element_type3A_41 = arith.truncf %get3A_28 : vector<512x1024xf32> to vector<512x1024xbf16>
      %dot_general3A_42 = arith.constant dense<0.000000e+00> : vector<256x1024xf32>
      %dot_general3A_43 = tpu.matmul %convert_element_type3A_40, %convert_element_type3A_41, %dot_general3A_42 {dimension_numbers = #tpu.dot_dimension_numbers<[1], [0], [0], [1], [0, 0, 1, 1], [], []>, transpose_lhs_hint = false} : vector<256x512xbf16>, vector<512x1024xbf16>, vector<256x1024xf32> -> vector<256x1024xf32>
      %swap3A = arith.constant 0 : index
      %swap3A_44 = arith.constant 0 : index
      %swap3A_45 = vector.load %arg9[%swap3A, %swap3A_44] : memref<256x1024xf32, #tpu.memory_space<vmem>>, vector<256x1024xf32>
      tpu.vector_store %arg9[%swap3A, %swap3A_44], %dot_general3A_43 {strides = array<i32>} : memref<256x1024xf32, #tpu.memory_space<vmem>>, vector<256x1024xf32>,
    } else {
    }
    return
  }
  func.func @transform_0(%arg0: i32, %arg1: memref<1x128xi32, #tpu.memory_space<smem>>) -> (i32, i32) {
    %c0_i32 = arith.constant 0 : i32
    %c0_i32_0 = arith.constant 0 : i32
    return %arg0, %c0_i32 : i32, i32
  }
  func.func @transform_1(%arg0: i32, %arg1: memref<1x128xi32, #tpu.memory_space<smem>>) -> (i32, i32, i32) {
    %get3A = arith.constant 0 : index
    %get3A_0 = arith.index_cast %arg0 : i32 to index
    %get3A_1 = memref.load %arg1[%get3A, %get3A_0] : memref<1x128xi32, #tpu.memory_space<smem>>
    %jit3A = arith.constant 0 : i32
    %jit3A_2 = arith.constant 7 : i32
    %max3A = arith.maxsi %jit3A, %get3A_1 : i32
    %min3A = arith.minsi %jit3A_2, %max3A : i32
    %c0_i32 = arith.constant 0 : i32
    %c0_i32_3 = arith.constant 0 : i32
    %c0_i32_4 = arith.constant 0 : i32
    return %min3A, %c0_i32, %c0_i32_3 : i32, i32, i32
  }
  func.func @transform_2(%arg0: i32, %arg1: memref<1x128xi32, #tpu.memory_space<smem>>) -> (i32, i32, i32) {
    %get3A = arith.constant 0 : index
    %get3A_0 = arith.index_cast %arg0 : i32 to index
    %get3A_1 = memref.load %arg1[%get3A, %get3A_0] : memref<1x128xi32, #tpu.memory_space<smem>>
    %jit3A = arith.constant 0 : i32
    %jit3A_2 = arith.constant 7 : i32
    %max3A = arith.maxsi %jit3A, %get3A_1 : i32
    %min3A = arith.minsi %jit3A_2, %max3A : i32
    %c0_i32 = arith.constant 0 : i32
    %c0_i32_3 = arith.constant 0 : i32
    %c0_i32_4 = arith.constant 0 : i32
    return %min3A, %c0_i32, %c0_i32_3 : i32, i32, i32
  }
  func.func @transform_3(%arg0: i32, %arg1: memref<1x128xi32, #tpu.memory_space<smem>>) -> (i32, i32, i32) {
    %get3A = arith.constant 0 : index
    %get3A_0 = arith.index_cast %arg0 : i32 to index
    %get3A_1 = memref.load %arg1[%get3A, %get3A_0] : memref<1x128xi32, #tpu.memory_space<smem>>
    %jit3A = arith.constant 0 : i32
    %jit3A_2 = arith.constant 7 : i32
    %max3A = arith.maxsi %jit3A, %get3A_1 : i32
    %min3A = arith.minsi %jit3A_2, %max3A : i32
    %c0_i32 = arith.constant 0 : i32
    %c0_i32_3 = arith.constant 0 : i32
    %c0_i32_4 = arith.constant 0 : i32
    return %min3A, %c0_i32, %c0_i32_3 : i32, i32, i32
  }
  func.func @transform_4(%arg0: i32, %arg1: memref<1x128xi32, #tpu.memory_space<smem>>) -> (i32, i32, i32) {
    %get3A = arith.constant 0 : index
    %get3A_0 = arith.index_cast %arg0 : i32 to index
    %get3A_1 = memref.load %arg1[%get3A, %get3A_0] : memref<1x128xi32, #tpu.memory_space<smem>>
    %sub3A = arith.constant 8 : i32
    %sub3A_2 = arith.subi %get3A_1, %sub3A : i32
    %jit3A = arith.constant 0 : i32
    %jit3A_3 = arith.constant 7 : i32
    %max3A = arith.maxsi %jit3A, %sub3A_2 : i32
    %min3A = arith.minsi %jit3A_3, %max3A : i32
    %c0_i32 = arith.constant 0 : i32
    %c0_i32_4 = arith.constant 0 : i32
    %c0_i32_5 = arith.constant 0 : i32
    return %min3A, %c0_i32, %c0_i32_4 : i32, i32, i32
  }
  func.func @transform_5(%arg0: i32, %arg1: memref<1x128xi32, #tpu.memory_space<smem>>) -> (i32, i32, i32) {
    %get3A = arith.constant 0 : index
    %get3A_0 = arith.index_cast %arg0 : i32 to index
    %get3A_1 = memref.load %arg1[%get3A, %get3A_0] : memref<1x128xi32, #tpu.memory_space<smem>>
    %sub3A = arith.constant 8 : i32
    %sub3A_2 = arith.subi %get3A_1, %sub3A : i32
    %jit3A = arith.constant 0 : i32
    %jit3A_3 = arith.constant 7 : i32
    %max3A = arith.maxsi %jit3A, %sub3A_2 : i32
    %min3A = arith.minsi %jit3A_3, %max3A : i32
    %c0_i32 = arith.constant 0 : i32
    %c0_i32_4 = arith.constant 0 : i32
    %c0_i32_5 = arith.constant 0 : i32
    return %min3A, %c0_i32, %c0_i32_4 : i32, i32, i32
  }
  func.func @transform_6(%arg0: i32, %arg1: memref<1x128xi32, #tpu.memory_space<smem>>) -> (i32, i32, i32) {
    %get3A = arith.constant 0 : index
    %get3A_0 = arith.index_cast %arg0 : i32 to index
    %get3A_1 = memref.load %arg1[%get3A, %get3A_0] : memref<1x128xi32, #tpu.memory_space<smem>>
    %sub3A = arith.constant 8 : i32
    %sub3A_2 = arith.subi %get3A_1, %sub3A : i32
    %jit3A = arith.constant 0 : i32
    %jit3A_3 = arith.constant 7 : i32
    %max3A = arith.maxsi %jit3A, %sub3A_2 : i32
    %min3A = arith.minsi %jit3A_3, %max3A : i32
    %c0_i32 = arith.constant 0 : i32
    %c0_i32_4 = arith.constant 0 : i32
    %c0_i32_5 = arith.constant 0 : i32
    return %min3A, %c0_i32, %c0_i32_4 : i32, i32, i32
  }
  func.func @transform_7(%arg0: i32, %arg1: memref<1x128xi32, #tpu.memory_space<smem>>) -> (i32, i32) {
    %c0_i32 = arith.constant 0 : i32
    %c0_i32_0 = arith.constant 0 : i32
    return %arg0, %c0_i32 : i32, i32
  }
}

module attributes {stable_mosaic.version = 14 : i64} {
  func.func @_combine_body(%arg0: i32, %arg1: memref<512x1024xf32, #tpu.memory_space<vmem>>, %arg2: memref<512x1024xf32, #tpu.memory_space<vmem>>, %arg3: memref<512x1xf32, #tpu.memory_space<vmem>>, %arg4: memref<512x1xf32, #tpu.memory_space<vmem>>, %arg5: memref<512x1024xf32, #tpu.memory_space<vmem>>, %arg6: memref<512x1024xf32, #tpu.memory_space<vmem>>) attributes {dimension_semantics = [#tpu.dimension_semantics<arbitrary>], iteration_bounds = array<i64: 4>, scalar_prefetch = 0 : i64, scratch_operands = 0 : i64, tpu.core_type = #tpu.core_type<tc>, window_params = [{transform_indices = @transform_0, window_bounds = array<i64: 512, 1024>}, {transform_indices = @transform_1, window_bounds = array<i64: 512, 1024>}, {transform_indices = @transform_2, window_bounds = array<i64: 512, 1>}, {transform_indices = @transform_3, window_bounds = array<i64: 512, 1>}, {transform_indices = @transform_4, window_bounds = array<i64: 512, 1024>}, {transform_indices = @transform_5, window_bounds = array<i64: 512, 1024>}]} {
    %get3A = arith.constant 0 : index
    %get3A_0 = arith.constant 0 : index
    %get3A_1 = vector.load %arg3[%get3A, %get3A_0] : memref<512x1xf32, #tpu.memory_space<vmem>>, vector<512x1xf32>
    %get3A_2 = arith.constant 0 : index
    %get3A_3 = arith.constant 0 : index
    %get3A_4 = vector.load %arg1[%get3A_2, %get3A_3] : memref<512x1024xf32, #tpu.memory_space<vmem>>, vector<512x1024xf32>
    %mul3A = vector.broadcast %get3A_1 : vector<512x1xf32> to vector<512x1024xf32>
    %mul3A_5 = arith.mulf %mul3A, %get3A_4 : vector<512x1024xf32>
    %get3A_6 = arith.constant 0 : index
    %get3A_7 = arith.constant 0 : index
    %get3A_8 = vector.load %arg4[%get3A_6, %get3A_7] : memref<512x1xf32, #tpu.memory_space<vmem>>, vector<512x1xf32>
    %get3A_9 = arith.constant 0 : index
    %get3A_10 = arith.constant 0 : index
    %get3A_11 = vector.load %arg2[%get3A_9, %get3A_10] : memref<512x1024xf32, #tpu.memory_space<vmem>>, vector<512x1024xf32>
    %mul3A_12 = vector.broadcast %get3A_8 : vector<512x1xf32> to vector<512x1024xf32>
    %mul3A_13 = arith.mulf %mul3A_12, %get3A_11 : vector<512x1024xf32>
    %add3A = arith.addf %mul3A_5, %mul3A_13 : vector<512x1024xf32>
    %get3A_14 = arith.constant 0 : index
    %get3A_15 = arith.constant 0 : index
    %get3A_16 = vector.load %arg5[%get3A_14, %get3A_15] : memref<512x1024xf32, #tpu.memory_space<vmem>>, vector<512x1024xf32>
    %add3A_17 = arith.addf %add3A, %get3A_16 : vector<512x1024xf32>
    %swap3A = arith.constant 0 : index
    %swap3A_18 = arith.constant 0 : index
    %swap3A_19 = vector.load %arg6[%swap3A, %swap3A_18] : memref<512x1024xf32, #tpu.memory_space<vmem>>, vector<512x1024xf32>
    tpu.vector_store %arg6[%swap3A, %swap3A_18], %add3A_17 {strides = array<i32>} : memref<512x1024xf32, #tpu.memory_space<vmem>>, vector<512x1024xf32>,
    return
  }
  func.func @transform_0(%arg0: i32) -> (i32, i32) {
    %c0_i32 = arith.constant 0 : i32
    %c0_i32_0 = arith.constant 0 : i32
    return %arg0, %c0_i32 : i32, i32
  }
  func.func @transform_1(%arg0: i32) -> (i32, i32) {
    %c0_i32 = arith.constant 0 : i32
    %c0_i32_0 = arith.constant 0 : i32
    return %arg0, %c0_i32 : i32, i32
  }
  func.func @transform_2(%arg0: i32) -> (i32, i32) {
    %c0_i32 = arith.constant 0 : i32
    %c0_i32_0 = arith.constant 0 : i32
    return %arg0, %c0_i32 : i32, i32
  }
  func.func @transform_3(%arg0: i32) -> (i32, i32) {
    %c0_i32 = arith.constant 0 : i32
    %c0_i32_0 = arith.constant 0 : i32
    return %arg0, %c0_i32 : i32, i32
  }
  func.func @transform_4(%arg0: i32) -> (i32, i32) {
    %c0_i32 = arith.constant 0 : i32
    %c0_i32_0 = arith.constant 0 : i32
    return %arg0, %c0_i32 : i32, i32
  }
  func.func @transform_5(%arg0: i32) -> (i32, i32) {
    %c0_i32 = arith.constant 0 : i32
    %c0_i32_0 = arith.constant 0 : i32
    return %arg0, %c0_i32 : i32, i32
  }
}

</mosaic_0001>

<sc_bundles>
// kernel: kernel.11.cloned.1.call-start
scs
__scs_entry_jumppad:
0x0: {  	(pc) =	sbr.rel $0x88, $3  }
0x1: {  	(tag) =	ssettag $0x0;
	lr =	simm.s32 $0x1  }
0x2: {  	[smem:$0x3F93] =	sst lr;
	_ =	strace $0xD0000000  }
0x3: {  	_ = 	snop  }
0x4: {  	_ = 	snop  }
0x5: {  	_ = 	snop  }
0x6: {  	_ = 	snop  }
0x7: {  	_ = 	snop  }
__scs_overlays_trampoline_lowered:
0x8: {  	[smem:$0x3FA2] =	sst s0  }
0x9: {  	[smem:$0x3FA3] =	sst s1  }
0xa: {  	[smem:$0x3FA4] =	sst s2  }
0xb: {  	[smem:$0x3FA5] =	sst s3  }
0xc: {  	[smem:$0x3FA6] =	sst s4  }
0xd: {  	[smem:$0x3FA7] =	sst s5  }
0xe: {  	[smem:$0x3FA8] =	sst s6  }
0xf: {  	[smem:$0x3FA9] =	sst s7  }
0x10: {  	[smem:$0x3FAA] =	sst s8  }
0x11: {  	[smem:$0x3FAB] =	sst s9;
	s0 =	simm.s32 @!p0 $0x0  }
0x12: {  	s1 =	sld [smem:$0x3F91];
	s0 =	simm.s32 @p0 $0x1  }
0x13: {  	[smem:$0x3FAC] =	sst s0;
	s0 =	simm.s32 @!p1 $0x0  }
0x14: {  	s2 =	sld [smem:$0x3F90];
	s0 =	simm.s32 @p1 $0x1  }
0x15: {  	[smem:$0x3FAD] =	sst s0;
	s0 =	simm.s32 @!p2 $0x0  }
0x16: {  	s3 =	sld [smem:$0x3FDB];
	s0 =	simm.s32 @p2 $0x1  }
0x17: {  	s4 =	simm.s32 $0x1BF5;
	[smem:$0x3FAF] =	sst s0  }
0x18: {  	s0 =	sld [smem:$0x3F92];
	_ =	swait.ge [sflag:s4], $0x0  }
0x19: {  	s7 =	sld [smem:$0x3F93]  }
0x1a: {  	s8 =	sadd.s32 $0xFFFFE003, lr  }
0x1b: {  	s9 =	sadd.s32 $0xFFFFFEF7, lr;
	s5 =	simm.s32 $0xFFFFFFFF;
	p2 =	slt.u32 s8, $0xFFFFF086  }
0x1c: {  	p1 =	slt.u32 s9, $0xF7A;
	s5 =	simm.s32 @!p2 $0x0  }
0x1d: {  	s5 =	simm.s32 @p1 $0x1;
	p0 =	seq.s32 s7, s2  }
0x1e: {  	s7 =	smul.u32 @!p0 $0xF7A, s2;
	p2 =	seq.s32 @!p0 s5, $0x0  }
0x1f: {  	s9 =	smul.u32 $0xF7A, s1;
	s8 =	simm.s32 @!p0 $0x1BF5;
	p2 =	por !p2, p0  }
0x20: {  	[sflag:s8] =	ssyncset.s32 @!p0 $0xFFFFF086;
	s6 =	sadd.s32 @!p0 s3, s7;
	s7 =	simm.s32 @!p0 $0x108  }
0x21: {  	s3 =	sadd.s32 s3, s9;
	s6 =	sadd.s32 @!p0 $0x88, s6;
	s7 =	simm.s32 @p2 $0x1082  }
0x22: {  	[simem:s7], [sflag:s8] =	dma.local @!p0 [hbm:s6], $0xF7A  }
0x23: {  	s9 =	sor.u32 $0xD0000000, s2;
	s6 =	simm.s32 $0x108;
	_ =	swait.ge @!p0 [sflag:s8], $0x0  }
0x24: {  	s3 =	sadd.s32 $0x88, s3;
	s6 =	simm.s32 @!p1 $0x1082;
	[sflag:s4] =	ssyncset.s32 $0xFFFFF086  }
0x25: {  	[simem:s6], [sflag:s4] =	dma.local [hbm:s3], $0xF7A  }
0x26: {  	[smem:$0x3F93] =	sst s1;
	(tag) =	ssettag s2;
	_ =	strace s9  }
0x27: {  	s1 =	sld [smem:$0x3FA3]  }
0x28: {  	s2 =	sld [smem:$0x3FA4]  }
0x29: {  	s4 =	sld [smem:$0x3FA6]  }
0x2a: {  	p0 =	seq.s32 s5, $0x0;
	s5 =	sld [smem:$0x3FA7]  }
0x2b: {  	s6 =	sld [smem:$0x3FA8]  }
0x2c: {  	s7 =	sld [smem:$0x3FA9]  }
0x2d: {  	s3 =	simm.s32 $0x108;
	s8 =	sld [smem:$0x3FAA]  }
0x2e: {  	s3 =	simm.s32 @!p0 $0x1082;
	s9 =	sld [smem:$0x3FAB]  }
0x2f: {  	lr =	sadd.s32 s0, s3;
	s0 =	sld [smem:$0x3FA2]  }
0x30: {  	s3 =	sld [smem:$0x3FA5]  }
0x31: {  	[smem:$0x3FAE] =	sst s10  }
0x32: {  	s10 =	sld [smem:$0x3FAC];
	_ =	sdelay $0x3  }
0x33: {  	p0 =	seq.s32 s10, $0x1;
	s10 =	sld [smem:$0x3FAE];
	_ =	sdelay $0x3  }
0x34: {  	[smem:$0x3FAE] =	sst s10  }
0x35: {  	s10 =	sld [smem:$0x3FAD];
	_ =	sdelay $0x3  }
0x36: {  	p1 =	seq.s32 s10, $0x1;
	s10 =	sld [smem:$0x3FAE];
	_ =	sdelay $0x3  }
0x37: {  	[smem:$0x3FAE] =	sst s10  }
0x38: {  	s10 =	sld [smem:$0x3FAF]  }
0x39: {  	_ = 	snop;
	(pc) =	sbr.ind lr, $3  }
0x3a: {  	_ = 	snop  }
0x3b: {  	_ = 	snop  }
0x3c: {  	p2 =	seq.s32 s10, $0x1;
	s10 =	sld [smem:$0x3FAE]  }
0x3d: {  	_ =	shalt  }
0x3e: {  	_ =	shalt  }
0x3f: {  	_ =	shalt  }
0x40: {  	_ =	shalt  }
0x41: {  	_ =	shalt  }
0x42: {  	_ =	shalt  }
0x43: {  	_ =	shalt  }
0x44: {  	_ =	shalt  }
0x45: {  	_ =	shalt  }
0x46: {  	_ =	shalt  }
0x47: {  	_ =	shalt  }
0x48: {  	_ =	shalt  }
0x49: {  	_ =	shalt  }
0x4a: {  	_ =	shalt  }
0x4b: {  	_ =	shalt  }
0x4c: {  	_ =	shalt  }
0x4d: {  	_ =	shalt  }
0x4e: {  	_ =	shalt  }
0x4f: {  	_ =	shalt  }
0x50: {  	_ =	shalt  }
0x51: {  	_ =	shalt  }
0x52: {  	_ =	shalt  }
0x53: {  	_ =	shalt  }
0x54: {  	_ =	shalt  }
0x55: {  	_ =	shalt  }
0x56: {  	_ =	shalt  }
0x57: {  	_ =	shalt  }
0x58: {  	_ =	shalt  }
0x59: {  	_ =	shalt  }
0x5a: {  	_ =	shalt  }
0x5b: {  	_ =	shalt  }
0x5c: {  	_ =	shalt  }
0x5d: {  	_ =	shalt  }
0x5e: {  	_ =	shalt  }
0x5f: {  	_ =	shalt  }
0x60: {  	_ =	shalt  }
0x61: {  	_ =	shalt  }
0x62: {  	_ =	shalt  }
0x63: {  	_ =	shalt  }
0x64: {  	_ =	shalt  }
0x65: {  	_ =	shalt  }
0x66: {  	_ =	shalt  }
0x67: {  	_ =	shalt  }
0x68: {  	_ =	shalt  }
0x69: {  	_ =	shalt  }
0x6a: {  	_ =	shalt  }
0x6b: {  	_ =	shalt  }
0x6c: {  	_ =	shalt  }
0x6d: {  	_ =	shalt  }
0x6e: {  	_ =	shalt  }
0x6f: {  	_ =	shalt  }
0x70: {  	_ =	shalt  }
0x71: {  	_ =	shalt  }
0x72: {  	_ =	shalt  }
0x73: {  	_ =	shalt  }
0x74: {  	_ =	shalt  }
0x75: {  	_ =	shalt  }
0x76: {  	_ =	shalt  }
0x77: {  	_ =	shalt  }
0x78: {  	_ =	shalt  }
0x79: {  	_ =	shalt  }
0x7a: {  	_ =	shalt  }
0x7b: {  	_ =	shalt  }
0x7c: {  	_ =	shalt  }
0x7d: {  	_ =	shalt  }
0x7e: {  	_ =	shalt  }
0x7f: {  	_ =	shalt  }
0x80: {  	_ =	shalt  }
0x81: {  	_ =	shalt  }
0x82: {  	_ =	shalt  }
0x83: {  	_ =	shalt  }
0x84: {  	_ =	shalt  }
0x85: {  	_ =	shalt  }
0x86: {  	_ =	shalt  }
0x87: {  	_ =	shalt  }
.Lfunc_end0:
.L_simem_size_0:
called_computation.1_lowered:
.L_overlay_start_0:
0x88: {  	s2 =	sld [smem:$0x3FD9]  }
0x89: {  	s3 =	sld [smem:$0x3FFE];
	_ =	sdelay $0x1  }
0x8a: {  	s1 =	srdreg.scid  }
0x8b: {  	s0 =	sand.u32 $0x1, s1  }
0x8c: {  	s17 =	sshll.u32 s0, $0xA;
	s2 =	sadd.s32 s3, s2  }
0x8d: {  	s2 =	sadd.s32 s2, s17  }
0x8e: {  	[smem:$0x3FBA] =	sst s2  }
0x8f: {  	_ = 	snop  }
0x90: {  	s2 =	sld [smem:$0x3FD0];
	(tm) =	ssettm $0x1  }
0x91: {  	s18 =	sld [smem:$0x3FFB];
	_ =	sdelay $0x3  }
0x92: {  	_ =	strace s18  }
0x93: {  	s3 =	sld [smem:$0x3FFC];
	_ =	sdelay $0x3  }
0x94: {  	_ =	strace s3  }
0x95: {  	s3 =	sld [smem:$0x3FFD];
	_ =	sdelay $0x3  }
0x96: {  	_ =	strace s3  }
0x97: {  	_ =	strace $0x8FFFFFFF  }
0x98: {  	s19 =	sld [smem:$0x3FDB];
	_ =	sdelay $0x1  }
0x99: {  	s4 =	simm.s32 $_scs_section_size  }
0x9a: {  	s5 =	simm.s32 $_size__tile_overlayer_lowered;
	s6 =	simm.s32 $_tile_overlayer_lowered  }
0x9b: {  	s22 =	simm.s32 $0x1BFF;
	s21 =	sshll.u32 s6, $0x1;
	s3 =	sadd.s32 s4, s19  }
0x9c: {  	s7 =	simm.s32 $0x0;
	s20 =	sshll.u32 s5, $0x1;
	s5 =	sadd.s32 s21, s3  }
0x9d: {  	[timem:s7], [sflag:s22] =	dma.local [hbm:s5], s20  }
0x9e: {  	_ =	swait.ge [sflag:s22], s20  }
0x9f: {  	s4 =	ssub.s32 $0x0, s20;
	[sflag:s22] =	ssyncset.done $0x0  }
0xa0: {  	[sflag:s22] =	ssyncadd.s32 s4;
	_ =	sdelay $0x1  }
0xa1: {  	s23 =	simm.s32 $0x1B8B  }
0xa2: {  	_ =	swait.ge [sflag:s23], $0x1  }
0xa3: {  	[sflag:s23] =	ssyncset.done $0x0  }
0xa4: {  	s25 =	simm.s32 $0x1B8E;
	s24 =	sld [smem:$0x3FFE];
	[sflag:s23] =	ssyncadd.s32 $0xFFFFFFFF  }
0xa5: {  	s26 =	simm.s32 $execute0_lowered;
	[smem:$0x3FD2] =	sst s25  }
0xa6: {  	s5 =	sshll.u32 s26, $0x1;
	_ =	strace $0x80000049;
	[dreg:$0x1] =	wrdreg $0xFFFFFFFF  }
0xa7: {  	s28 =	simm.s32 $_size_execute0_lowered;
	s3 =	sadd.s32 s3, s5;
	[dreg:$0x0] =	wrdreg $0x0  }
0xa8: {  	s5 =	sshll.u32 s28, $0x1;
	[dreg:$0x2] =	wrdreg s3  }
0xa9: {  	[dreg:$0x3] =	wrdreg s5  }
0xaa: {  	[dreg:$0x4] =	wrdreg $0xC0  }
0xab: {  	_ =	task [dreg:s7], $0x5FFFF  }
0xac: {  	[dreg:$0x1] =	wrdreg $0xFFFFFFFF  }
0xad: {  	[dreg:$0x0] =	wrdreg $0x60  }
0xae: {  	[dreg:$0x2] =	wrdreg s24  }
0xaf: {  	[dreg:$0x3] =	wrdreg s2  }
0xb0: {  	[dreg:$0x4] =	wrdreg $0x9  }
0xb1: {  	_ =	task.clear_ibuf [dreg:s7], $0x5FFFF;
	_ =	strace $0x90000049  }
0xb2: {  	s29 =	simm.s32 $0x9;
	_ =	strace $0x8000004B  }
0xb3: {  	_ =	swait.ge [sflag:s29], $0x1  }
0xb4: {  	[sflag:s29] =	ssyncadd.s32 $0xFFFFFFFF  }
0xb5: {  	_ =	strace $0x9000004B  }
0xb6: {  	_ =	sfence  }
0xb7: {  	s30 =	sld [smem:$0x0];
	_ =	sdelay $0x2  }
0xb8: {  	s31 =	sshll.u32 s1, $0xD;
	s1 =	sshrl.u32 s1, $0x2  }
0xb9: {  	s3 =	sand.u32 $0x4000, s31;
	s1 =	sadd.s32 s1, s30  }
0xba: {  	s0 =	sor.u32 s3, s0;
	s1 =	sshll.u32 s1, $0x11  }
0xbb: {  	s0 =	sor.u32 s1, s0  }
0xbc: {  	s0 =	sadd.s32 $0x8F2B, s0  }
0xbd: {  	[sflag:s0] =	ssyncadd.remote.s32 $0x1  }
0xbe: {  	_ =	sfence.sel $0xFFFF  }
0xbf: {  	[dreg:$0x0] =	wrdreg $0xFFFFFFFF;
	(pc) =	sbr.abs _section_cstart, $3  }
0xc0: {  	[dreg:$0x1] =	wrdreg $0xFFFFFFFF  }
0xc1: {  	_ =	task.clear_ibuf [dreg:s7], $0x2FFFF;
	_ =	strace $0x9FFFFFFF  }
0xc2: {  	(tm) =	ssettm $0x7FFFFFFF  }
0xc3: {  	_ =	shalt  }
tec
execute0_lowered:
.L_overlay_start_1:
0x0: {  	(tag) =	ssettag $0x1  }
0x1: {  	s0 =	rddreg [dreg:$0x0]  }
0x2: {  	s1 =	rddreg [dreg:$0x1];
	s3 =	srdreg.scid  }
0x3: {  	s2 =	simm.s32 $0x0;
	s5 =	stileid.u32;
	s18 =	simm.s32 $0x1  }
0x4: {  	s20 =	simm.s32 $0x880;
	s21 =	simm.s32 $0x1080;
	s28 =	simm.s32 $0x4080  }
0x5: {  	s29 =	simm.s32 $0x4880;
	s30 =	simm.s32 $0x5080;
	s31 =	simm.s32 $0x5880  }
0x6: {  	s10 =	simm.s32 $0x7080;
	s11 =	simm.s32 $0x7880;
	s12 =	simm.s32 $0x8080  }
0x7: {  	s13 =	simm.s32 $0x8880;
	s14 =	simm.s32 $0x9080;
	s15 =	simm.s32 $0x9880  }
0x8: {  	s16 =	simm.s32 $0xA080;
	s17 =	simm.s32 $0xA880;
	s9 =	simm.s32 $0xB080  }
0x9: {  	s4 =	sand.u32 $0x1, s3;
	[smem:$0x7FF] =	sst s2;
	s22 =	sshll.u32 s5, $0x7  }
0xa: {  	s3 =	sadd.s32 $0x102C00, s0;
	s23 =	sshll.u32 s4, $0x6;
	s4 =	ssub.s32 $0x2, s4  }
0xb: {  	_ =	strace $0x8000004A;
	s5 =	sor.u32 s23, s22;
	s7 =	sshrl.u32 s4, $0x1  }
0xc: {  	s22 =	simm.s32 $0x1880;
	s23 =	simm.s32 $0x2080;
	s6 =	sshrl.u32 s5, $0x3  }
0xd: {  	s5 =	sshll.u32 s5, $0x7;
	s7 =	ssub.s32 s4, s7;
	s4 =	sadd.s32 $0x102D00, s0  }
0xe: {  	s6 =	sadd.s32 s6, s0;
	s8 =	sadd.s32 s5, s0;
	s1 =	sadd.s32 s1, s5  }
0xf: {  	s5 =	sadd.s32 $0x102E00, s0;
	s24 =	sadd.s32 $0x2800, s6;
	[dreg:$0x4] =	wrdreg s1  }
0x10: {  	s7 =	smax.u32 s7, $0x1;
	s25 =	sadd.s32 $0x2A00, s6;
	[dreg:$0x3] =	wrdreg s24  }
0x11: {  	v2 =	vlaneseq.u32;
	s6 =	sadd.s32 $0x102F00, s0;
	s26 =	sadd.s32 $0x2C00, s8;
	[dreg:$0x5] =	wrdreg s25  }
0x12: {  	vm0 =	vmmov $0xffff;
	v1 =	vshrl.u32 v2, $0x3;
	s8 =	simm.s32 $0x2;
	s0 =	simm.s32 $0x80;
	[dreg:$0x6] =	wrdreg s26  }
0x13: {  	v0 =	vand.u32 $0x7, v2;
	v2 =	vor.u32 $0x8, v2;
	v1 =	vmul.u32 $0x8, v1;
	s24 =	simm.s32 $0x2880;
	s25 =	simm.s32 $0x3080;
	s26 =	simm.s32 $0x3880  }
.LBB2_1:
0x14: {  	s19 =	rddreg [dreg:$0x3]  }
0x15: {  	[tilespmem:s2], [sflag:$0x2] =	stream.linear.gather [hbm4b:s19+s2], $0x40, $0x38;
	[tilespmem:$0x10080] =	vst v63  }
0x16: {  	_ =	swait.ge [sflag:s8], $0x40  }
0x17: {  	[sflag:s8] =	ssyncset.done $0x0  }
0x18: {  	[sflag:s8] =	ssyncadd.s32 $0xFFFFFFC0  }
0x19: {  	v3 =	vld [tilespmem:$0x0];
	_ =	sdelay $0x4  }
0x1a: {  	v4 =	vshll.u32 v3, $0x3  }
0x1b: {  	v3 =	vand.u32 $0x7, v3;
	v4 =	vand.u32 $0xFFFFFFC0, v4  }
0x1c: {  	v3 =	vor.u32 v3, v4  }
0x1d: {  	v4 =	vperm.xlane v3, v0;
	_ =	sdelay $0x1  }
0x1e: {  	v4 =	vadd.s32 v1, v4;
	_ =	sdelay $0x4  }
0x1f: {  	[tilespmem:s0], [sflag:$0x1] =	stream.indirect_vreg.gather [hbm4b:s3+s2], $0x80, v4, vm0, $0xb8;
	[tilespmem:$0x10080] =	vst v63  }
0x20: {  	v3 =	vperm.xlane v3, v2  }
0x21: {  	[tilespmem:s20], [sflag:$0x1] =	stream.indirect_vreg.gather [hbm4b:s4+s2], $0x80, v4, vm0, $0xb8;
	[tilespmem:$0x10080] =	vst v63  }
0x22: {  	v3 =	vadd.s32 v1, v3  }
0x23: {  	[tilespmem:s21], [sflag:$0x1] =	stream.indirect_vreg.gather [hbm4b:s5+s2], $0x80, v4, vm0, $0xb8;
	[tilespmem:$0x10080] =	vst v63  }
0x24: {  	_ = 	snop  }
0x25: {  	[tilespmem:s22], [sflag:$0x1] =	stream.indirect_vreg.gather [hbm4b:s6+s2], $0x80, v4, vm0, $0xb8;
	[tilespmem:$0x10080] =	vst v63  }
0x26: {  	_ = 	snop  }
0x27: {  	[tilespmem:s23], [sflag:$0x1] =	stream.indirect_vreg.gather [hbm4b:s3+s2], $0x80, v3, vm0, $0xb8;
	[tilespmem:$0x10080] =	vst v63  }
0x28: {  	_ = 	snop  }
0x29: {  	[tilespmem:s24], [sflag:$0x1] =	stream.indirect_vreg.gather [hbm4b:s4+s2], $0x80, v3, vm0, $0xb8;
	[tilespmem:$0x10080] =	vst v63  }
0x2a: {  	_ = 	snop  }
0x2b: {  	[tilespmem:s25], [sflag:$0x1] =	stream.indirect_vreg.gather [hbm4b:s5+s2], $0x80, v3, vm0, $0xb8;
	[tilespmem:$0x10080] =	vst v63  }
0x2c: {  	_ = 	snop  }
0x2d: {  	[tilespmem:s26], [sflag:$0x1] =	stream.indirect_vreg.gather [hbm4b:s6+s2], $0x80, v3, vm0, $0xb8;
	[tilespmem:$0x10080] =	vst v63  }
0x2e: {  	v3 =	vld [tilespmem:$0x10];
	_ =	sdelay $0x4  }
0x2f: {  	v57 =	vshll.u32 v3, $0x3  }
0x30: {  	v3 =	vand.u32 $0x7, v3;
	v4 =	vand.u32 $0xFFFFFFC0, v57  }
0x31: {  	v3 =	vor.u32 v3, v4  }
0x32: {  	v4 =	vperm.xlane v3, v0;
	_ =	sdelay $0x1  }
0x33: {  	v4 =	vadd.s32 v1, v4;
	_ =	sdelay $0x4  }
0x34: {  	[tilespmem:s28], [sflag:$0x1] =	stream.indirect_vreg.gather [hbm4b:s3+s2], $0x80, v4, vm0, $0xb8;
	[tilespmem:$0x10080] =	vst v63  }
0x35: {  	v3 =	vperm.xlane v3, v2  }
0x36: {  	[tilespmem:s29], [sflag:$0x1] =	stream.indirect_vreg.gather [hbm4b:s4+s2], $0x80, v4, vm0, $0xb8;
	[tilespmem:$0x10080] =	vst v63  }
0x37: {  	v3 =	vadd.s32 v1, v3  }
0x38: {  	[tilespmem:s30], [sflag:$0x1] =	stream.indirect_vreg.gather [hbm4b:s5+s2], $0x80, v4, vm0, $0xb8;
	[tilespmem:$0x10080] =	vst v63  }
0x39: {  	_ = 	snop  }
0x3a: {  	[tilespmem:s31], [sflag:$0x1] =	stream.indirect_vreg.gather [hbm4b:s6+s2], $0x80, v4, vm0, $0xb8;
	[tilespmem:$0x10080] =	vst v63  }
0x3b: {  	s1 =	simm.s32 $0x6080  }
0x3c: {  	[tilespmem:s1], [sflag:$0x1] =	stream.indirect_vreg.gather [hbm4b:s3+s2], $0x80, v3, vm0, $0xb8;
	[tilespmem:$0x10080] =	vst v63  }
0x3d: {  	s1 =	simm.s32 $0x6880  }
0x3e: {  	[tilespmem:s1], [sflag:$0x1] =	stream.indirect_vreg.gather [hbm4b:s4+s2], $0x80, v3, vm0, $0xb8;
	[tilespmem:$0x10080] =	vst v63  }
0x3f: {  	_ = 	snop  }
0x40: {  	[tilespmem:s10], [sflag:$0x1] =	stream.indirect_vreg.gather [hbm4b:s5+s2], $0x80, v3, vm0, $0xb8;
	[tilespmem:$0x10080] =	vst v63  }
0x41: {  	_ = 	snop  }
0x42: {  	[tilespmem:s11], [sflag:$0x1] =	stream.indirect_vreg.gather [hbm4b:s6+s2], $0x80, v3, vm0, $0xb8;
	[tilespmem:$0x10080] =	vst v63  }
0x43: {  	v3 =	vld [tilespmem:$0x20];
	_ =	sdelay $0x4  }
0x44: {  	v58 =	vshll.u32 v3, $0x3  }
0x45: {  	v3 =	vand.u32 $0x7, v3;
	v4 =	vand.u32 $0xFFFFFFC0, v58  }
0x46: {  	v3 =	vor.u32 v3, v4  }
0x47: {  	v4 =	vperm.xlane v3, v0;
	_ =	sdelay $0x1  }
0x48: {  	v4 =	vadd.s32 v1, v4;
	_ =	sdelay $0x4  }
0x49: {  	[tilespmem:s12], [sflag:$0x1] =	stream.indirect_vreg.gather [hbm4b:s3+s2], $0x80, v4, vm0, $0xb8;
	[tilespmem:$0x10080] =	vst v63  }
0x4a: {  	v3 =	vperm.xlane v3, v2  }
0x4b: {  	[tilespmem:s13], [sflag:$0x1] =	stream.indirect_vreg.gather [hbm4b:s4+s2], $0x80, v4, vm0, $0xb8;
	[tilespmem:$0x10080] =	vst v63  }
0x4c: {  	v3 =	vadd.s32 v1, v3  }
0x4d: {  	[tilespmem:s14], [sflag:$0x1] =	stream.indirect_vreg.gather [hbm4b:s5+s2], $0x80, v4, vm0, $0xb8;
	[tilespmem:$0x10080] =	vst v63  }
0x4e: {  	_ = 	snop  }
0x4f: {  	[tilespmem:s15], [sflag:$0x1] =	stream.indirect_vreg.gather [hbm4b:s6+s2], $0x80, v4, vm0, $0xb8;
	[tilespmem:$0x10080] =	vst v63  }
0x50: {  	_ = 	snop  }
0x51: {  	[tilespmem:s16], [sflag:$0x1] =	stream.indirect_vreg.gather [hbm4b:s3+s2], $0x80, v3, vm0, $0xb8;
	[tilespmem:$0x10080] =	vst v63  }
0x52: {  	_ = 	snop  }
0x53: {  	[tilespmem:s17], [sflag:$0x1] =	stream.indirect_vreg.gather [hbm4b:s4+s2], $0x80, v3, vm0, $0xb8;
	[tilespmem:$0x10080] =	vst v63  }
0x54: {  	_ = 	snop  }
0x55: {  	[tilespmem:s9], [sflag:$0x1] =	stream.indirect_vreg.gather [hbm4b:s5+s2], $0x80, v3, vm0, $0xb8;
	[tilespmem:$0x10080] =	vst v63  }
0x56: {  	s19 =	simm.s32 $0xB880  }
0x57: {  	[tilespmem:s19], [sflag:$0x1] =	stream.indirect_vreg.gather [hbm4b:s6+s2], $0x80, v3, vm0, $0xb8;
	[tilespmem:$0x10080] =	vst v63  }
0x58: {  	v3 =	vld [tilespmem:$0x30];
	_ =	sdelay $0x4  }
0x59: {  	v59 =	vshll.u32 v3, $0x3  }
0x5a: {  	v3 =	vand.u32 $0x7, v3;
	v4 =	vand.u32 $0xFFFFFFC0, v59  }
0x5b: {  	v3 =	vor.u32 v3, v4  }
0x5c: {  	v4 =	vperm.xlane v3, v0;
	_ =	sdelay $0x1  }
0x5d: {  	v4 =	vadd.s32 v1, v4;
	_ =	sdelay $0x3  }
0x5e: {  	s19 =	simm.s32 $0xC080  }
0x5f: {  	[tilespmem:s19], [sflag:$0x1] =	stream.indirect_vreg.gather [hbm4b:s3+s2], $0x80, v4, vm0, $0xb8;
	[tilespmem:$0x10080] =	vst v63  }
0x60: {  	v3 =	vperm.xlane v3, v2;
	s19 =	simm.s32 $0xC880  }
0x61: {  	[tilespmem:s19], [sflag:$0x1] =	stream.indirect_vreg.gather [hbm4b:s4+s2], $0x80, v4, vm0, $0xb8;
	[tilespmem:$0x10080] =	vst v63  }
0x62: {  	v3 =	vadd.s32 v1, v3;
	s19 =	simm.s32 $0xD080  }
0x63: {  	[tilespmem:s19], [sflag:$0x1] =	stream.indirect_vreg.gather [hbm4b:s5+s2], $0x80, v4, vm0, $0xb8;
	[tilespmem:$0x10080] =	vst v63  }
0x64: {  	s19 =	simm.s32 $0xD880  }
0x65: {  	[tilespmem:s19], [sflag:$0x1] =	stream.indirect_vreg.gather [hbm4b:s6+s2], $0x80, v4, vm0, $0xb8;
	[tilespmem:$0x10080] =	vst v63  }
0x66: {  	s19 =	simm.s32 $0xE080  }
0x67: {  	[tilespmem:s19], [sflag:$0x1] =	stream.indirect_vreg.gather [hbm4b:s3+s2], $0x80, v3, vm0, $0xb8;
	[tilespmem:$0x10080] =	vst v63  }
0x68: {  	s19 =	simm.s32 $0xE880  }
0x69: {  	[tilespmem:s19], [sflag:$0x1] =	stream.indirect_vreg.gather [hbm4b:s4+s2], $0x80, v3, vm0, $0xb8;
	[tilespmem:$0x10080] =	vst v63  }
0x6a: {  	s19 =	simm.s32 $0xF080  }
0x6b: {  	[tilespmem:s19], [sflag:$0x1] =	stream.indirect_vreg.gather [hbm4b:s5+s2], $0x80, v3, vm0, $0xb8;
	[tilespmem:$0x10080] =	vst v63  }
0x6c: {  	s19 =	simm.s32 $0xF880  }
0x6d: {  	[tilespmem:s19], [sflag:$0x1] =	stream.indirect_vreg.gather [hbm4b:s6+s2], $0x80, v3, vm0, $0xb8;
	[tilespmem:$0x10080] =	vst v63  }
0x6e: {  	_ =	swait.ge [sflag:s18], $0x10000  }
0x6f: {  	[sflag:s18] =	ssyncset.done $0x0  }
0x70: {  	s19 =	rddreg [dreg:$0x4];
	[sflag:s18] =	ssyncadd.s32 $0xFFFF0000  }
0x71: {  	[hbm4b:s19+s2] =	stream.linear.scatter [tilespmem:s0], [sflag:$0x2], $0x10000, $0x38;
	[tilespmem:$0x10080] =	vst v63  }
0x72: {  	_ =	swait.ge [sflag:s8], $0x10000  }
0x73: {  	[sflag:s8] =	ssyncset.done $0x0  }
0x74: {  	s19 =	rddreg [dreg:$0x5];
	[sflag:s8] =	ssyncadd.s32 $0xFFFF0000  }
0x75: {  	[tilespmem:s2], [sflag:$0x2] =	stream.linear.gather [hbm4b:s19+s2], $0x40, $0x38;
	[tilespmem:$0x10080] =	vst v63  }
0x76: {  	_ =	swait.ge [sflag:s8], $0x40  }
0x77: {  	[sflag:s8] =	ssyncset.done $0x0  }
0x78: {  	[sflag:s8] =	ssyncadd.s32 $0xFFFFFFC0  }
0x79: {  	v3 =	vld [tilespmem:$0x0];
	_ =	sdelay $0x4  }
0x7a: {  	v60 =	vshll.u32 v3, $0x3  }
0x7b: {  	v3 =	vand.u32 $0x7, v3;
	v4 =	vand.u32 $0xFFFFFFC0, v60  }
0x7c: {  	v3 =	vor.u32 v3, v4  }
0x7d: {  	v4 =	vperm.xlane v3, v0;
	_ =	sdelay $0x1  }
0x7e: {  	v4 =	vadd.s32 v1, v4;
	_ =	sdelay $0x4  }
0x7f: {  	[tilespmem:s0], [sflag:$0x1] =	stream.indirect_vreg.gather [hbm4b:s3+s2], $0x80, v4, vm0, $0xb8;
	[tilespmem:$0x10080] =	vst v63  }
0x80: {  	v3 =	vperm.xlane v3, v2  }
0x81: {  	[tilespmem:s20], [sflag:$0x1] =	stream.indirect_vreg.gather [hbm4b:s4+s2], $0x80, v4, vm0, $0xb8;
	[tilespmem:$0x10080] =	vst v63  }
0x82: {  	v3 =	vadd.s32 v1, v3  }
0x83: {  	[tilespmem:s21], [sflag:$0x1] =	stream.indirect_vreg.gather [hbm4b:s5+s2], $0x80, v4, vm0, $0xb8;
	[tilespmem:$0x10080] =	vst v63  }
0x84: {  	_ = 	snop  }
0x85: {  	[tilespmem:s22], [sflag:$0x1] =	stream.indirect_vreg.gather [hbm4b:s6+s2], $0x80, v4, vm0, $0xb8;
	[tilespmem:$0x10080] =	vst v63  }
0x86: {  	_ = 	snop  }
0x87: {  	[tilespmem:s23], [sflag:$0x1] =	stream.indirect_vreg.gather [hbm4b:s3+s2], $0x80, v3, vm0, $0xb8;
	[tilespmem:$0x10080] =	vst v63  }
0x88: {  	_ = 	snop  }
0x89: {  	[tilespmem:s24], [sflag:$0x1] =	stream.indirect_vreg.gather [hbm4b:s4+s2], $0x80, v3, vm0, $0xb8;
	[tilespmem:$0x10080] =	vst v63  }
0x8a: {  	_ = 	snop  }
0x8b: {  	[tilespmem:s25], [sflag:$0x1] =	stream.indirect_vreg.gather [hbm4b:s5+s2], $0x80, v3, vm0, $0xb8;
	[tilespmem:$0x10080] =	vst v63  }
0x8c: {  	_ = 	snop  }
0x8d: {  	[tilespmem:s26], [sflag:$0x1] =	stream.indirect_vreg.gather [hbm4b:s6+s2], $0x80, v3, vm0, $0xb8;
	[tilespmem:$0x10080] =	vst v63  }
0x8e: {  	v3 =	vld [tilespmem:$0x10];
	_ =	sdelay $0x4  }
0x8f: {  	v61 =	vshll.u32 v3, $0x3  }
0x90: {  	v3 =	vand.u32 $0x7, v3;
	v4 =	vand.u32 $0xFFFFFFC0, v61  }
0x91: {  	v3 =	vor.u32 v3, v4  }
0x92: {  	v4 =	vperm.xlane v3, v0;
	_ =	sdelay $0x1  }
0x93: {  	v4 =	vadd.s32 v1, v4;
	_ =	sdelay $0x4  }
0x94: {  	[tilespmem:s28], [sflag:$0x1] =	stream.indirect_vreg.gather [hbm4b:s3+s2], $0x80, v4, vm0, $0xb8;
	[tilespmem:$0x10080] =	vst v63  }
0x95: {  	v3 =	vperm.xlane v3, v2  }
0x96: {  	[tilespmem:s29], [sflag:$0x1] =	stream.indirect_vreg.gather [hbm4b:s4+s2], $0x80, v4, vm0, $0xb8;
	[tilespmem:$0x10080] =	vst v63  }
0x97: {  	v3 =	vadd.s32 v1, v3  }
0x98: {  	[tilespmem:s30], [sflag:$0x1] =	stream.indirect_vreg.gather [hbm4b:s5+s2], $0x80, v4, vm0, $0xb8;
	[tilespmem:$0x10080] =	vst v63  }
0x99: {  	_ = 	snop  }
0x9a: {  	[tilespmem:s31], [sflag:$0x1] =	stream.indirect_vreg.gather [hbm4b:s6+s2], $0x80, v4, vm0, $0xb8;
	[tilespmem:$0x10080] =	vst v63  }
0x9b: {  	s19 =	simm.s32 $0x6080  }
0x9c: {  	[tilespmem:s19], [sflag:$0x1] =	stream.indirect_vreg.gather [hbm4b:s3+s2], $0x80, v3, vm0, $0xb8;
	[tilespmem:$0x10080] =	vst v63  }
0x9d: {  	_ = 	snop  }
0x9e: {  	[tilespmem:s1], [sflag:$0x1] =	stream.indirect_vreg.gather [hbm4b:s4+s2], $0x80, v3, vm0, $0xb8;
	[tilespmem:$0x10080] =	vst v63  }
0x9f: {  	_ = 	snop  }
0xa0: {  	[tilespmem:s10], [sflag:$0x1] =	stream.indirect_vreg.gather [hbm4b:s5+s2], $0x80, v3, vm0, $0xb8;
	[tilespmem:$0x10080] =	vst v63  }
0xa1: {  	_ = 	snop  }
0xa2: {  	[tilespmem:s11], [sflag:$0x1] =	stream.indirect_vreg.gather [hbm4b:s6+s2], $0x80, v3, vm0, $0xb8;
	[tilespmem:$0x10080] =	vst v63  }
0xa3: {  	v3 =	vld [tilespmem:$0x20];
	_ =	sdelay $0x4  }
0xa4: {  	v62 =	vshll.u32 v3, $0x3  }
0xa5: {  	v3 =	vand.u32 $0x7, v3;
	v4 =	vand.u32 $0xFFFFFFC0, v62  }
0xa6: {  	v3 =	vor.u32 v3, v4  }
0xa7: {  	v4 =	vperm.xlane v3, v0;
	_ =	sdelay $0x1  }
0xa8: {  	v4 =	vadd.s32 v1, v4;
	_ =	sdelay $0x4  }
0xa9: {  	[tilespmem:s12], [sflag:$0x1] =	stream.indirect_vreg.gather [hbm4b:s3+s2], $0x80, v4, vm0, $0xb8;
	[tilespmem:$0x10080] =	vst v63  }
0xaa: {  	v3 =	vperm.xlane v3, v2  }
0xab: {  	[tilespmem:s13], [sflag:$0x1] =	stream.indirect_vreg.gather [hbm4b:s4+s2], $0x80, v4, vm0, $0xb8;
	[tilespmem:$0x10080] =	vst v63  }
0xac: {  	v3 =	vadd.s32 v1, v3  }
0xad: {  	[tilespmem:s14], [sflag:$0x1] =	stream.indirect_vreg.gather [hbm4b:s5+s2], $0x80, v4, vm0, $0xb8;
	[tilespmem:$0x10080] =	vst v63  }
0xae: {  	_ = 	snop  }
0xaf: {  	[tilespmem:s15], [sflag:$0x1] =	stream.indirect_vreg.gather [hbm4b:s6+s2], $0x80, v4, vm0, $0xb8;
	[tilespmem:$0x10080] =	vst v63  }
0xb0: {  	_ = 	snop  }
0xb1: {  	[tilespmem:s16], [sflag:$0x1] =	stream.indirect_vreg.gather [hbm4b:s3+s2], $0x80, v3, vm0, $0xb8;
	[tilespmem:$0x10080] =	vst v63  }
0xb2: {  	_ = 	snop  }
0xb3: {  	[tilespmem:s17], [sflag:$0x1] =	stream.indirect_vreg.gather [hbm4b:s4+s2], $0x80, v3, vm0, $0xb8;
	[tilespmem:$0x10080] =	vst v63  }
0xb4: {  	_ = 	snop  }
0xb5: {  	[tilespmem:s9], [sflag:$0x1] =	stream.indirect_vreg.gather [hbm4b:s5+s2], $0x80, v3, vm0, $0xb8;
	[tilespmem:$0x10080] =	vst v63  }
0xb6: {  	s19 =	simm.s32 $0xB880  }
0xb7: {  	[tilespmem:s19], [sflag:$0x1] =	stream.indirect_vreg.gather [hbm4b:s6+s2], $0x80, v3, vm0, $0xb8;
	[tilespmem:$0x10080] =	vst v63  }
0xb8: {  	v3 =	vld [tilespmem:$0x30];
	_ =	sdelay $0x4  }
0xb9: {  	v63 =	vshll.u32 v3, $0x3  }
0xba: {  	v3 =	vand.u32 $0x7, v3;
	v4 =	vand.u32 $0xFFFFFFC0, v63  }
0xbb: {  	v3 =	vor.u32 v3, v4  }
0xbc: {  	v4 =	vperm.xlane v3, v0;
	_ =	sdelay $0x1  }
0xbd: {  	v4 =	vadd.s32 v1, v4;
	_ =	sdelay $0x3  }
0xbe: {  	s19 =	simm.s32 $0xC080  }
0xbf: {  	[tilespmem:s19], [sflag:$0x1] =	stream.indirect_vreg.gather [hbm4b:s3+s2], $0x80, v4, vm0, $0xb8;
	[tilespmem:$0x10080] =	vst v63  }
0xc0: {  	v3 =	vperm.xlane v3, v2;
	s19 =	simm.s32 $0xC880  }
0xc1: {  	[tilespmem:s19], [sflag:$0x1] =	stream.indirect_vreg.gather [hbm4b:s4+s2], $0x80, v4, vm0, $0xb8;
	[tilespmem:$0x10080] =	vst v63  }
0xc2: {  	v3 =	vadd.s32 v1, v3;
	s19 =	simm.s32 $0xD080  }
0xc3: {  	[tilespmem:s19], [sflag:$0x1] =	stream.indirect_vreg.gather [hbm4b:s5+s2], $0x80, v4, vm0, $0xb8;
	[tilespmem:$0x10080] =	vst v63  }
0xc4: {  	s19 =	simm.s32 $0xD880  }
0xc5: {  	[tilespmem:s19], [sflag:$0x1] =	stream.indirect_vreg.gather [hbm4b:s6+s2], $0x80, v4, vm0, $0xb8;
	[tilespmem:$0x10080] =	vst v63  }
0xc6: {  	s19 =	simm.s32 $0xE080  }
0xc7: {  	[tilespmem:s19], [sflag:$0x1] =	stream.indirect_vreg.gather [hbm4b:s3+s2], $0x80, v3, vm0, $0xb8;
	[tilespmem:$0x10080] =	vst v63  }
0xc8: {  	s19 =	simm.s32 $0xE880  }
0xc9: {  	[tilespmem:s19], [sflag:$0x1] =	stream.indirect_vreg.gather [hbm4b:s4+s2], $0x80, v3, vm0, $0xb8;
	[tilespmem:$0x10080] =	vst v63  }
0xca: {  	s19 =	simm.s32 $0xF080  }
0xcb: {  	[tilespmem:s19], [sflag:$0x1] =	stream.indirect_vreg.gather [hbm4b:s5+s2], $0x80, v3, vm0, $0xb8;
	[tilespmem:$0x10080] =	vst v63  }
0xcc: {  	s19 =	simm.s32 $0xF880  }
0xcd: {  	[tilespmem:s19], [sflag:$0x1] =	stream.indirect_vreg.gather [hbm4b:s6+s2], $0x80, v3, vm0, $0xb8;
	[tilespmem:$0x10080] =	vst v63  }
0xce: {  	_ =	swait.ge [sflag:s18], $0x10000  }
0xcf: {  	p0 =	sne.s32 s7, $0x1;
	[sflag:s18] =	ssyncset.done $0x0  }
.Ltmp0:
0xd0: {  	s1 =	rddreg [dreg:$0x6];
	[sflag:s18] =	ssyncadd.s32 $0xFFFF0000;
	(pc) =	sbr.rel @p0 .LBB2_1-.Ltmp0, $4  }
0xd1: {  	[hbm4b:s1+s2] =	stream.linear.scatter [tilespmem:s0], [sflag:$0x2], $0x10000, $0x38;
	[tilespmem:$0x10080] =	vst v63  }
0xd2: {  	_ =	swait.ge [sflag:s8], $0x10000  }
0xd3: {  	[sflag:s8] =	ssyncset.done $0x0  }
0xd4: {  	s7 =	sadd.s32 $0xFFFFFFFF, s7;
	[sflag:s8] =	ssyncadd.s32 $0xFFFF0000  }
0xd5: {  	_ =	sfence.sel $0x180000  }
0xd6: {  	[bflag:$0x0] =	sbarrier.arrive $0xFFFF  }
0xd7: {  	_ =	strace $0x9000004A  }
0xd8: {  	s0 =	stileid.u32;
	[bflag:$0x2] =	sbarrier.arrive $0xFFFF  }
0xd9: {  	p0 =	sne.s32 s0, $0x0;
	s0 =	rddreg [dreg:$0x2]  }
0xda: {  	s0 =	sadd.s32 @!p0 $0x100000, s0  }
0xdb: {  	[sflag:s0] =	ssyncadd.tile.s32 @!p0 $0x1;
	_ =	shalt  }
.Lfunc_end2:
_tile_overlayer_lowered:
.L_overlay_start_2:
0xdc: {  	(tag) =	ssettag $0x2  }
0xdd: {  	s0 =	rddreg [dreg:$0x0];
	s2 =	stileid.u32  }
0xde: {  	s1 =	rddreg [dreg:$0x1];
	p0 =	sne.s32 s2, $0x0  }
0xdf: {  	s3 =	rddreg [dreg:$0x2];
	[bflag:$0x3] =	sbarrier.arrive $0xFFFF;
	s2 =	simm.s32 @!p0 $0x1C02  }
0xe0: {  	[timem:s3], [sflag:s2] =	dma.local @!p0 [hbm:s0], s1  }
0xe1: {  	s0 =	simm.s32 @!p0 $0x2  }
0xe2: {  	_ =	swait.ge @!p0 [sflag:s0], s1  }
0xe3: {  	s1 =	ssub.s32 @!p0 $0x0, s1;
	[sflag:s0] =	ssyncset.done @!p0 $0x0  }
0xe4: {  	[sflag:s0] =	ssyncadd.s32 @!p0 s1  }
0xe5: {  	[bflag:$0x3] =	sbarrier.arrive $0xFFFF  }
0xe6: {  	_ =	shalt  }

// kernel: kernel.8.cloned.1.call-start
scs
__scs_entry_jumppad:
0x0: {  	(pc) =	sbr.rel $0x88, $3  }
0x1: {  	(tag) =	ssettag $0x0;
	lr =	simm.s32 $0x1  }
0x2: {  	[smem:$0x3F93] =	sst lr;
	_ =	strace $0xD0000000  }
0x3: {  	_ = 	snop  }
0x4: {  	_ = 	snop  }
0x5: {  	_ = 	snop  }
0x6: {  	_ = 	snop  }
0x7: {  	_ = 	snop  }
__scs_overlays_trampoline_lowered:
0x8: {  	[smem:$0x3FA2] =	sst s0  }
0x9: {  	[smem:$0x3FA3] =	sst s1  }
0xa: {  	[smem:$0x3FA4] =	sst s2  }
0xb: {  	[smem:$0x3FA5] =	sst s3  }
0xc: {  	[smem:$0x3FA6] =	sst s4  }
0xd: {  	[smem:$0x3FA7] =	sst s5  }
0xe: {  	[smem:$0x3FA8] =	sst s6  }
0xf: {  	[smem:$0x3FA9] =	sst s7  }
0x10: {  	[smem:$0x3FAA] =	sst s8  }
0x11: {  	[smem:$0x3FAB] =	sst s9;
	s0 =	simm.s32 @!p0 $0x0  }
0x12: {  	s1 =	sld [smem:$0x3F91];
	s0 =	simm.s32 @p0 $0x1  }
0x13: {  	[smem:$0x3FAC] =	sst s0;
	s0 =	simm.s32 @!p1 $0x0  }
0x14: {  	s2 =	sld [smem:$0x3F90];
	s0 =	simm.s32 @p1 $0x1  }
0x15: {  	[smem:$0x3FAD] =	sst s0;
	s0 =	simm.s32 @!p2 $0x0  }
0x16: {  	s3 =	sld [smem:$0x3FDB];
	s0 =	simm.s32 @p2 $0x1  }
0x17: {  	s4 =	simm.s32 $0x1BF5;
	[smem:$0x3FAF] =	sst s0  }
0x18: {  	s0 =	sld [smem:$0x3F92];
	_ =	swait.ge [sflag:s4], $0x0  }
0x19: {  	s7 =	sld [smem:$0x3F93]  }
0x1a: {  	s8 =	sadd.s32 $0xFFFFE003, lr  }
0x1b: {  	s9 =	sadd.s32 $0xFFFFFEF7, lr;
	s5 =	simm.s32 $0xFFFFFFFF;
	p2 =	slt.u32 s8, $0xFFFFF086  }
0x1c: {  	p1 =	slt.u32 s9, $0xF7A;
	s5 =	simm.s32 @!p2 $0x0  }
0x1d: {  	s5 =	simm.s32 @p1 $0x1;
	p0 =	seq.s32 s7, s2  }
0x1e: {  	s7 =	smul.u32 @!p0 $0xF7A, s2;
	p2 =	seq.s32 @!p0 s5, $0x0  }
0x1f: {  	s9 =	smul.u32 $0xF7A, s1;
	s8 =	simm.s32 @!p0 $0x1BF5;
	p2 =	por !p2, p0  }
0x20: {  	[sflag:s8] =	ssyncset.s32 @!p0 $0xFFFFF086;
	s6 =	sadd.s32 @!p0 s3, s7;
	s7 =	simm.s32 @!p0 $0x108  }
0x21: {  	s3 =	sadd.s32 s3, s9;
	s6 =	sadd.s32 @!p0 $0x88, s6;
	s7 =	simm.s32 @p2 $0x1082  }
0x22: {  	[simem:s7], [sflag:s8] =	dma.local @!p0 [hbm:s6], $0xF7A  }
0x23: {  	s9 =	sor.u32 $0xD0000000, s2;
	s6 =	simm.s32 $0x108;
	_ =	swait.ge @!p0 [sflag:s8], $0x0  }
0x24: {  	s3 =	sadd.s32 $0x88, s3;
	s6 =	simm.s32 @!p1 $0x1082;
	[sflag:s4] =	ssyncset.s32 $0xFFFFF086  }
0x25: {  	[simem:s6], [sflag:s4] =	dma.local [hbm:s3], $0xF7A  }
0x26: {  	[smem:$0x3F93] =	sst s1;
	(tag) =	ssettag s2;
	_ =	strace s9  }
0x27: {  	s1 =	sld [smem:$0x3FA3]  }
0x28: {  	s2 =	sld [smem:$0x3FA4]  }
0x29: {  	s4 =	sld [smem:$0x3FA6]  }
0x2a: {  	p0 =	seq.s32 s5, $0x0;
	s5 =	sld [smem:$0x3FA7]  }
0x2b: {  	s6 =	sld [smem:$0x3FA8]  }
0x2c: {  	s7 =	sld [smem:$0x3FA9]  }
0x2d: {  	s3 =	simm.s32 $0x108;
	s8 =	sld [smem:$0x3FAA]  }
0x2e: {  	s3 =	simm.s32 @!p0 $0x1082;
	s9 =	sld [smem:$0x3FAB]  }
0x2f: {  	lr =	sadd.s32 s0, s3;
	s0 =	sld [smem:$0x3FA2]  }
0x30: {  	s3 =	sld [smem:$0x3FA5]  }
0x31: {  	[smem:$0x3FAE] =	sst s10  }
0x32: {  	s10 =	sld [smem:$0x3FAC];
	_ =	sdelay $0x3  }
0x33: {  	p0 =	seq.s32 s10, $0x1;
	s10 =	sld [smem:$0x3FAE];
	_ =	sdelay $0x3  }
0x34: {  	[smem:$0x3FAE] =	sst s10  }
0x35: {  	s10 =	sld [smem:$0x3FAD];
	_ =	sdelay $0x3  }
0x36: {  	p1 =	seq.s32 s10, $0x1;
	s10 =	sld [smem:$0x3FAE];
	_ =	sdelay $0x3  }
0x37: {  	[smem:$0x3FAE] =	sst s10  }
0x38: {  	s10 =	sld [smem:$0x3FAF]  }
0x39: {  	_ = 	snop;
	(pc) =	sbr.ind lr, $3  }
0x3a: {  	_ = 	snop  }
0x3b: {  	_ = 	snop  }
0x3c: {  	p2 =	seq.s32 s10, $0x1;
	s10 =	sld [smem:$0x3FAE]  }
0x3d: {  	_ =	shalt  }
0x3e: {  	_ =	shalt  }
0x3f: {  	_ =	shalt  }
0x40: {  	_ =	shalt  }
0x41: {  	_ =	shalt  }
0x42: {  	_ =	shalt  }
0x43: {  	_ =	shalt  }
0x44: {  	_ =	shalt  }
0x45: {  	_ =	shalt  }
0x46: {  	_ =	shalt  }
0x47: {  	_ =	shalt  }
0x48: {  	_ =	shalt  }
0x49: {  	_ =	shalt  }
0x4a: {  	_ =	shalt  }
0x4b: {  	_ =	shalt  }
0x4c: {  	_ =	shalt  }
0x4d: {  	_ =	shalt  }
0x4e: {  	_ =	shalt  }
0x4f: {  	_ =	shalt  }
0x50: {  	_ =	shalt  }
0x51: {  	_ =	shalt  }
0x52: {  	_ =	shalt  }
0x53: {  	_ =	shalt  }
0x54: {  	_ =	shalt  }
0x55: {  	_ =	shalt  }
0x56: {  	_ =	shalt  }
0x57: {  	_ =	shalt  }
0x58: {  	_ =	shalt  }
0x59: {  	_ =	shalt  }
0x5a: {  	_ =	shalt  }
0x5b: {  	_ =	shalt  }
0x5c: {  	_ =	shalt  }
0x5d: {  	_ =	shalt  }
0x5e: {  	_ =	shalt  }
0x5f: {  	_ =	shalt  }
0x60: {  	_ =	shalt  }
0x61: {  	_ =	shalt  }
0x62: {  	_ =	shalt  }
0x63: {  	_ =	shalt  }
0x64: {  	_ =	shalt  }
0x65: {  	_ =	shalt  }
0x66: {  	_ =	shalt  }
0x67: {  	_ =	shalt  }
0x68: {  	_ =	shalt  }
0x69: {  	_ =	shalt  }
0x6a: {  	_ =	shalt  }
0x6b: {  	_ =	shalt  }
0x6c: {  	_ =	shalt  }
0x6d: {  	_ =	shalt  }
0x6e: {  	_ =	shalt  }
0x6f: {  	_ =	shalt  }
0x70: {  	_ =	shalt  }
0x71: {  	_ =	shalt  }
0x72: {  	_ =	shalt  }
0x73: {  	_ =	shalt  }
0x74: {  	_ =	shalt  }
0x75: {  	_ =	shalt  }
0x76: {  	_ =	shalt  }
0x77: {  	_ =	shalt  }
0x78: {  	_ =	shalt  }
0x79: {  	_ =	shalt  }
0x7a: {  	_ =	shalt  }
0x7b: {  	_ =	shalt  }
0x7c: {  	_ =	shalt  }
0x7d: {  	_ =	shalt  }
0x7e: {  	_ =	shalt  }
0x7f: {  	_ =	shalt  }
0x80: {  	_ =	shalt  }
0x81: {  	_ =	shalt  }
0x82: {  	_ =	shalt  }
0x83: {  	_ =	shalt  }
0x84: {  	_ =	shalt  }
0x85: {  	_ =	shalt  }
0x86: {  	_ =	shalt  }
0x87: {  	_ =	shalt  }
.Lfunc_end0:
.L_simem_size_0:
called_computation_lowered:
.L_overlay_start_0:
0x88: {  	s2 =	sld [smem:$0x3FD9]  }
0x89: {  	s3 =	sld [smem:$0x3FFE];
	_ =	sdelay $0x1  }
0x8a: {  	s1 =	srdreg.scid  }
0x8b: {  	s0 =	sand.u32 $0x1, s1  }
0x8c: {  	s17 =	sshll.u32 s0, $0xA;
	s2 =	sadd.s32 s3, s2  }
0x8d: {  	s2 =	sadd.s32 s2, s17  }
0x8e: {  	[smem:$0x3FBA] =	sst s2  }
0x8f: {  	_ = 	snop  }
0x90: {  	s2 =	sld [smem:$0x3FC9];
	(tm) =	ssettm $0x1  }
0x91: {  	s18 =	sld [smem:$0x3FFB];
	_ =	sdelay $0x3  }
0x92: {  	_ =	strace s18  }
0x93: {  	s3 =	sld [smem:$0x3FFC];
	_ =	sdelay $0x3  }
0x94: {  	_ =	strace s3  }
0x95: {  	s3 =	sld [smem:$0x3FFD];
	_ =	sdelay $0x3  }
0x96: {  	_ =	strace s3  }
0x97: {  	_ =	strace $0x8FFFFFFF  }
0x98: {  	s19 =	sld [smem:$0x3FDB];
	_ =	sdelay $0x1  }
0x99: {  	s4 =	simm.s32 $_scs_section_size  }
0x9a: {  	s5 =	simm.s32 $_size__tile_overlayer_lowered;
	s6 =	simm.s32 $_tile_overlayer_lowered  }
0x9b: {  	s22 =	simm.s32 $0x1BFF;
	s21 =	sshll.u32 s6, $0x1;
	s3 =	sadd.s32 s4, s19  }
0x9c: {  	s7 =	simm.s32 $0x0;
	s20 =	sshll.u32 s5, $0x1;
	s5 =	sadd.s32 s21, s3  }
0x9d: {  	[timem:s7], [sflag:s22] =	dma.local [hbm:s5], s20  }
0x9e: {  	_ =	swait.ge [sflag:s22], s20  }
0x9f: {  	s4 =	ssub.s32 $0x0, s20;
	[sflag:s22] =	ssyncset.done $0x0  }
0xa0: {  	[sflag:s22] =	ssyncadd.s32 s4;
	_ =	sdelay $0x1  }
0xa1: {  	s23 =	simm.s32 $0x1B8B  }
0xa2: {  	_ =	swait.ge [sflag:s23], $0x1  }
0xa3: {  	[sflag:s23] =	ssyncset.done $0x0  }
0xa4: {  	s25 =	simm.s32 $0x1B8E;
	s24 =	sld [smem:$0x3FFE];
	[sflag:s23] =	ssyncadd.s32 $0xFFFFFFFF  }
0xa5: {  	s26 =	simm.s32 $execute0_lowered;
	[smem:$0x3FD2] =	sst s25  }
0xa6: {  	s5 =	sshll.u32 s26, $0x1;
	_ =	strace $0x80000046;
	[dreg:$0x1] =	wrdreg $0xFFFFFFFF  }
0xa7: {  	s28 =	simm.s32 $_size_execute0_lowered;
	s3 =	sadd.s32 s3, s5;
	[dreg:$0x0] =	wrdreg $0x0  }
0xa8: {  	s5 =	sshll.u32 s28, $0x1;
	[dreg:$0x2] =	wrdreg s3  }
0xa9: {  	[dreg:$0x3] =	wrdreg s5  }
0xaa: {  	[dreg:$0x4] =	wrdreg $0xC0  }
0xab: {  	_ =	task [dreg:s7], $0x5FFFF  }
0xac: {  	[dreg:$0x1] =	wrdreg $0xFFFFFFFF  }
0xad: {  	[dreg:$0x0] =	wrdreg $0x60  }
0xae: {  	[dreg:$0x2] =	wrdreg s2  }
0xaf: {  	[dreg:$0x3] =	wrdreg s24  }
0xb0: {  	[dreg:$0x4] =	wrdreg $0x9  }
0xb1: {  	_ =	task.clear_ibuf [dreg:s7], $0x5FFFF;
	_ =	strace $0x90000046  }
0xb2: {  	s29 =	simm.s32 $0x9;
	_ =	strace $0x80000048  }
0xb3: {  	_ =	swait.ge [sflag:s29], $0x1  }
0xb4: {  	[sflag:s29] =	ssyncadd.s32 $0xFFFFFFFF  }
0xb5: {  	_ =	strace $0x90000048  }
0xb6: {  	_ =	sfence  }
0xb7: {  	s30 =	sld [smem:$0x0];
	_ =	sdelay $0x2  }
0xb8: {  	s31 =	sshll.u32 s1, $0xD;
	s1 =	sshrl.u32 s1, $0x2  }
0xb9: {  	s3 =	sand.u32 $0x4000, s31;
	s1 =	sadd.s32 s1, s30  }
0xba: {  	s0 =	sor.u32 s3, s0;
	s1 =	sshll.u32 s1, $0x11  }
0xbb: {  	s0 =	sor.u32 s1, s0  }
0xbc: {  	s0 =	sadd.s32 $0x8F2B, s0  }
0xbd: {  	[sflag:s0] =	ssyncadd.remote.s32 $0x1  }
0xbe: {  	_ =	sfence.sel $0xFFFF  }
0xbf: {  	[dreg:$0x0] =	wrdreg $0xFFFFFFFF;
	(pc) =	sbr.abs _section_cstart, $3  }
0xc0: {  	[dreg:$0x1] =	wrdreg $0xFFFFFFFF  }
0xc1: {  	_ =	task.clear_ibuf [dreg:s7], $0x2FFFF;
	_ =	strace $0x9FFFFFFF  }
0xc2: {  	(tm) =	ssettm $0x7FFFFFFF  }
0xc3: {  	_ =	shalt  }
tec
execute0_lowered:
.L_overlay_start_1:
0x0: {  	(tag) =	ssettag $0x1  }
0x1: {  	s0 =	srdreg.scid;
	s1 =	rddreg [dreg:$0x0]  }
0x2: {  	s2 =	stileid.u32;
	s6 =	rddreg [dreg:$0x1];
	s26 =	simm.s32 $0x80  }
0x3: {  	s8 =	simm.s32 $0x2;
	s18 =	simm.s32 $0x1;
	s21 =	simm.s32 $0x1900  }
0x4: {  	s22 =	simm.s32 $0x2100;
	s23 =	simm.s32 $0x2900;
	s24 =	simm.s32 $0x3100  }
0x5: {  	s28 =	simm.s32 $0x4900;
	s29 =	simm.s32 $0x5100;
	s30 =	simm.s32 $0x5900  }
0x6: {  	s31 =	simm.s32 $0x6100;
	s10 =	simm.s32 $0x7900;
	s11 =	simm.s32 $0x8100  }
0x7: {  	s12 =	simm.s32 $0x8900;
	s13 =	simm.s32 $0x9100;
	s14 =	simm.s32 $0x9900  }
0x8: {  	s15 =	simm.s32 $0xA100;
	s16 =	simm.s32 $0xA900;
	s17 =	simm.s32 $0xB100  }
0x9: {  	s0 =	sand.u32 $0x1, s0;
	s3 =	sshll.u32 s2, $0x7;
	s2 =	simm.s32 $0x0  }
0xa: {  	s4 =	sshll.u32 s0, $0x6;
	[smem:$0x7FF] =	sst s2;
	s0 =	ssub.s32 $0x2, s0  }
0xb: {  	s4 =	sor.u32 s4, s3;
	_ =	strace $0x80000047;
	s25 =	sshrl.u32 s0, $0x1  }
0xc: {  	[dreg:$0x6] =	wrdreg s26;
	s3 =	sshrl.u32 s4, $0x3;
	s4 =	sshll.u32 s4, $0x7  }
0xd: {  	s26 =	simm.s32 $0x4100;
	s5 =	sadd.s32 s3, s6;
	s1 =	sadd.s32 s1, s4  }
0xe: {  	s0 =	ssub.s32 s0, s25;
	s7 =	sadd.s32 $0x2800, s5;
	[dreg:$0x5] =	wrdreg s1  }
0xf: {  	v2 =	vlaneseq.u32;
	s25 =	simm.s32 $0x3900;
	s5 =	sadd.s32 $0x2A00, s5;
	[dreg:$0x3] =	wrdreg s7  }
0x10: {  	vm0 =	vmmov $0xffff;
	v1 =	vshrl.u32 v2, $0x3;
	s3 =	sadd.s32 $0x2C00, s6;
	s4 =	sadd.s32 $0x2D00, s6;
	[dreg:$0x4] =	wrdreg s5  }
0x11: {  	v0 =	vand.u32 $0x7, v2;
	v2 =	vor.u32 $0x8, v2;
	v1 =	vmul.u32 $0x8, v1;
	s5 =	sadd.s32 $0x2E00, s6;
	s6 =	sadd.s32 $0x2F00, s6;
	s7 =	smax.u32 s0, $0x1  }
.LBB2_1:
0x12: {  	s19 =	rddreg [dreg:$0x3]  }
0x13: {  	[tilespmem:s2], [sflag:$0x2] =	stream.linear.gather [hbm4b:s19+s2], $0x40, $0x38;
	[tilespmem:$0x10100] =	vst v63  }
0x14: {  	_ =	swait.ge [sflag:s8], $0x40  }
0x15: {  	s1 =	rddreg [dreg:$0x4];
	[sflag:s8] =	ssyncset.done $0x0  }
0x16: {  	s20 =	rddreg [dreg:$0x6];
	[sflag:s8] =	ssyncadd.s32 $0xFFFFFFC0  }
0x17: {  	[tilespmem:s20], [sflag:$0x2] =	stream.linear.gather [hbm4b:s1+s2], $0x40, $0x38;
	[tilespmem:$0x10100] =	vst v63  }
0x18: {  	_ =	swait.ge [sflag:s8], $0x40  }
0x19: {  	[sflag:s8] =	ssyncset.done $0x0  }
0x1a: {  	s0 =	simm.s32 $0x100;
	s9 =	rddreg [dreg:$0x5];
	[sflag:s8] =	ssyncadd.s32 $0xFFFFFFC0  }
0x1b: {  	[tilespmem:s0], [sflag:$0x2] =	stream.linear.gather [hbm4b:s9+s2], $0x10000, $0x38;
	[tilespmem:$0x10100] =	vst v63  }
0x1c: {  	_ =	swait.ge [sflag:s8], $0x10000  }
0x1d: {  	[sflag:s8] =	ssyncset.done $0x0  }
0x1e: {  	[sflag:s8] =	ssyncadd.s32 $0xFFFF0000  }
0x1f: {  	v3 =	vld [tilespmem:$0x0];
	_ =	sdelay $0x4  }
0x20: {  	v4 =	vshll.u32 v3, $0x3  }
0x21: {  	v3 =	vand.u32 $0x7, v3;
	v4 =	vand.u32 $0xFFFFFFC0, v4  }
0x22: {  	v3 =	vor.u32 v3, v4  }
0x23: {  	v4 =	vperm.xlane v3, v0;
	_ =	sdelay $0x1  }
0x24: {  	v4 =	vadd.s32 v1, v4;
	_ =	sdelay $0x4  }
0x25: {  	[hbm4b:s3+s2] =	stream.indirect_vreg.scatter [tilespmem:s0], [sflag:$0x1], $0x80, v4, vm0, $0xb8;
	[tilespmem:$0x10100] =	vst v63  }
0x26: {  	s19 =	simm.s32 $0x900;
	v3 =	vperm.xlane v3, v2  }
0x27: {  	[hbm4b:s4+s2] =	stream.indirect_vreg.scatter [tilespmem:s19], [sflag:$0x1], $0x80, v4, vm0, $0xb8;
	[tilespmem:$0x10100] =	vst v63  }
0x28: {  	s20 =	simm.s32 $0x1100;
	v3 =	vadd.s32 v1, v3  }
0x29: {  	[hbm4b:s5+s2] =	stream.indirect_vreg.scatter [tilespmem:s20], [sflag:$0x1], $0x80, v4, vm0, $0xb8;
	[tilespmem:$0x10100] =	vst v63  }
0x2a: {  	_ = 	snop  }
0x2b: {  	[hbm4b:s6+s2] =	stream.indirect_vreg.scatter [tilespmem:s21], [sflag:$0x1], $0x80, v4, vm0, $0xb8;
	[tilespmem:$0x10100] =	vst v63  }
0x2c: {  	_ = 	snop  }
0x2d: {  	[hbm4b:s3+s2] =	stream.indirect_vreg.scatter [tilespmem:s22], [sflag:$0x1], $0x80, v3, vm0, $0xb8;
	[tilespmem:$0x10100] =	vst v63  }
0x2e: {  	_ = 	snop  }
0x2f: {  	[hbm4b:s4+s2] =	stream.indirect_vreg.scatter [tilespmem:s23], [sflag:$0x1], $0x80, v3, vm0, $0xb8;
	[tilespmem:$0x10100] =	vst v63  }
0x30: {  	_ = 	snop  }
0x31: {  	[hbm4b:s5+s2] =	stream.indirect_vreg.scatter [tilespmem:s24], [sflag:$0x1], $0x80, v3, vm0, $0xb8;
	[tilespmem:$0x10100] =	vst v63  }
0x32: {  	_ = 	snop  }
0x33: {  	[hbm4b:s6+s2] =	stream.indirect_vreg.scatter [tilespmem:s25], [sflag:$0x1], $0x80, v3, vm0, $0xb8;
	[tilespmem:$0x10100] =	vst v63  }
0x34: {  	v3 =	vld [tilespmem:$0x10];
	_ =	sdelay $0x4  }
0x35: {  	v57 =	vshll.u32 v3, $0x3  }
0x36: {  	v3 =	vand.u32 $0x7, v3;
	v4 =	vand.u32 $0xFFFFFFC0, v57  }
0x37: {  	v3 =	vor.u32 v3, v4  }
0x38: {  	v4 =	vperm.xlane v3, v0;
	_ =	sdelay $0x1  }
0x39: {  	v4 =	vadd.s32 v1, v4;
	_ =	sdelay $0x4  }
0x3a: {  	[hbm4b:s3+s2] =	stream.indirect_vreg.scatter [tilespmem:s26], [sflag:$0x1], $0x80, v4, vm0, $0xb8;
	[tilespmem:$0x10100] =	vst v63  }
0x3b: {  	v3 =	vperm.xlane v3, v2  }
0x3c: {  	[hbm4b:s4+s2] =	stream.indirect_vreg.scatter [tilespmem:s28], [sflag:$0x1], $0x80, v4, vm0, $0xb8;
	[tilespmem:$0x10100] =	vst v63  }
0x3d: {  	v3 =	vadd.s32 v1, v3  }
0x3e: {  	[hbm4b:s5+s2] =	stream.indirect_vreg.scatter [tilespmem:s29], [sflag:$0x1], $0x80, v4, vm0, $0xb8;
	[tilespmem:$0x10100] =	vst v63  }
0x3f: {  	_ = 	snop  }
0x40: {  	[hbm4b:s6+s2] =	stream.indirect_vreg.scatter [tilespmem:s30], [sflag:$0x1], $0x80, v4, vm0, $0xb8;
	[tilespmem:$0x10100] =	vst v63  }
0x41: {  	_ = 	snop  }
0x42: {  	[hbm4b:s3+s2] =	stream.indirect_vreg.scatter [tilespmem:s31], [sflag:$0x1], $0x80, v3, vm0, $0xb8;
	[tilespmem:$0x10100] =	vst v63  }
0x43: {  	s1 =	simm.s32 $0x6900  }
0x44: {  	[hbm4b:s4+s2] =	stream.indirect_vreg.scatter [tilespmem:s1], [sflag:$0x1], $0x80, v3, vm0, $0xb8;
	[tilespmem:$0x10100] =	vst v63  }
0x45: {  	s9 =	simm.s32 $0x7100  }
0x46: {  	[hbm4b:s5+s2] =	stream.indirect_vreg.scatter [tilespmem:s9], [sflag:$0x1], $0x80, v3, vm0, $0xb8;
	[tilespmem:$0x10100] =	vst v63  }
0x47: {  	_ = 	snop  }
0x48: {  	[hbm4b:s6+s2] =	stream.indirect_vreg.scatter [tilespmem:s10], [sflag:$0x1], $0x80, v3, vm0, $0xb8;
	[tilespmem:$0x10100] =	vst v63  }
0x49: {  	v3 =	vld [tilespmem:$0x20];
	_ =	sdelay $0x4  }
0x4a: {  	v58 =	vshll.u32 v3, $0x3  }
0x4b: {  	v3 =	vand.u32 $0x7, v3;
	v4 =	vand.u32 $0xFFFFFFC0, v58  }
0x4c: {  	v3 =	vor.u32 v3, v4  }
0x4d: {  	v4 =	vperm.xlane v3, v0;
	_ =	sdelay $0x1  }
0x4e: {  	v4 =	vadd.s32 v1, v4;
	_ =	sdelay $0x4  }
0x4f: {  	[hbm4b:s3+s2] =	stream.indirect_vreg.scatter [tilespmem:s11], [sflag:$0x1], $0x80, v4, vm0, $0xb8;
	[tilespmem:$0x10100] =	vst v63  }
0x50: {  	v3 =	vperm.xlane v3, v2  }
0x51: {  	[hbm4b:s4+s2] =	stream.indirect_vreg.scatter [tilespmem:s12], [sflag:$0x1], $0x80, v4, vm0, $0xb8;
	[tilespmem:$0x10100] =	vst v63  }
0x52: {  	v3 =	vadd.s32 v1, v3  }
0x53: {  	[hbm4b:s5+s2] =	stream.indirect_vreg.scatter [tilespmem:s13], [sflag:$0x1], $0x80, v4, vm0, $0xb8;
	[tilespmem:$0x10100] =	vst v63  }
0x54: {  	_ = 	snop  }
0x55: {  	[hbm4b:s6+s2] =	stream.indirect_vreg.scatter [tilespmem:s14], [sflag:$0x1], $0x80, v4, vm0, $0xb8;
	[tilespmem:$0x10100] =	vst v63  }
0x56: {  	_ = 	snop  }
0x57: {  	[hbm4b:s3+s2] =	stream.indirect_vreg.scatter [tilespmem:s15], [sflag:$0x1], $0x80, v3, vm0, $0xb8;
	[tilespmem:$0x10100] =	vst v63  }
0x58: {  	_ = 	snop  }
0x59: {  	[hbm4b:s4+s2] =	stream.indirect_vreg.scatter [tilespmem:s16], [sflag:$0x1], $0x80, v3, vm0, $0xb8;
	[tilespmem:$0x10100] =	vst v63  }
0x5a: {  	_ = 	snop  }
0x5b: {  	[hbm4b:s5+s2] =	stream.indirect_vreg.scatter [tilespmem:s17], [sflag:$0x1], $0x80, v3, vm0, $0xb8;
	[tilespmem:$0x10100] =	vst v63  }
0x5c: {  	s9 =	simm.s32 $0xB900  }
0x5d: {  	[hbm4b:s6+s2] =	stream.indirect_vreg.scatter [tilespmem:s9], [sflag:$0x1], $0x80, v3, vm0, $0xb8;
	[tilespmem:$0x10100] =	vst v63  }
0x5e: {  	v3 =	vld [tilespmem:$0x30];
	_ =	sdelay $0x4  }
0x5f: {  	v59 =	vshll.u32 v3, $0x3  }
0x60: {  	v3 =	vand.u32 $0x7, v3;
	v4 =	vand.u32 $0xFFFFFFC0, v59  }
0x61: {  	v3 =	vor.u32 v3, v4  }
0x62: {  	v4 =	vperm.xlane v3, v0;
	_ =	sdelay $0x1  }
0x63: {  	v4 =	vadd.s32 v1, v4;
	_ =	sdelay $0x3  }
0x64: {  	s1 =	simm.s32 $0xC100  }
0x65: {  	[hbm4b:s3+s2] =	stream.indirect_vreg.scatter [tilespmem:s1], [sflag:$0x1], $0x80, v4, vm0, $0xb8;
	[tilespmem:$0x10100] =	vst v63  }
0x66: {  	v3 =	vperm.xlane v3, v2;
	s1 =	simm.s32 $0xC900  }
0x67: {  	[hbm4b:s4+s2] =	stream.indirect_vreg.scatter [tilespmem:s1], [sflag:$0x1], $0x80, v4, vm0, $0xb8;
	[tilespmem:$0x10100] =	vst v63  }
0x68: {  	v3 =	vadd.s32 v1, v3;
	s1 =	simm.s32 $0xD100  }
0x69: {  	[hbm4b:s5+s2] =	stream.indirect_vreg.scatter [tilespmem:s1], [sflag:$0x1], $0x80, v4, vm0, $0xb8;
	[tilespmem:$0x10100] =	vst v63  }
0x6a: {  	s1 =	simm.s32 $0xD900  }
0x6b: {  	[hbm4b:s6+s2] =	stream.indirect_vreg.scatter [tilespmem:s1], [sflag:$0x1], $0x80, v4, vm0, $0xb8;
	[tilespmem:$0x10100] =	vst v63  }
0x6c: {  	s1 =	simm.s32 $0xE100  }
0x6d: {  	[hbm4b:s3+s2] =	stream.indirect_vreg.scatter [tilespmem:s1], [sflag:$0x1], $0x80, v3, vm0, $0xb8;
	[tilespmem:$0x10100] =	vst v63  }
0x6e: {  	s1 =	simm.s32 $0xE900  }
0x6f: {  	[hbm4b:s4+s2] =	stream.indirect_vreg.scatter [tilespmem:s1], [sflag:$0x1], $0x80, v3, vm0, $0xb8;
	[tilespmem:$0x10100] =	vst v63  }
0x70: {  	s1 =	simm.s32 $0xF100  }
0x71: {  	[hbm4b:s5+s2] =	stream.indirect_vreg.scatter [tilespmem:s1], [sflag:$0x1], $0x80, v3, vm0, $0xb8;
	[tilespmem:$0x10100] =	vst v63  }
0x72: {  	s1 =	simm.s32 $0xF900  }
0x73: {  	[hbm4b:s6+s2] =	stream.indirect_vreg.scatter [tilespmem:s1], [sflag:$0x1], $0x80, v3, vm0, $0xb8;
	[tilespmem:$0x10100] =	vst v63  }
0x74: {  	_ =	swait.ge [sflag:s18], $0x10000  }
0x75: {  	[sflag:s18] =	ssyncset.done $0x0  }
0x76: {  	[sflag:s18] =	ssyncadd.s32 $0xFFFF0000  }
0x77: {  	v3 =	vld [tilespmem:$0x80];
	_ =	sdelay $0x4  }
0x78: {  	v60 =	vshll.u32 v3, $0x3  }
0x79: {  	v3 =	vand.u32 $0x7, v3;
	v4 =	vand.u32 $0xFFFFFFC0, v60  }
0x7a: {  	v3 =	vor.u32 v3, v4  }
0x7b: {  	v4 =	vperm.xlane v3, v0;
	_ =	sdelay $0x1  }
0x7c: {  	v4 =	vadd.s32 v1, v4;
	_ =	sdelay $0x4  }
0x7d: {  	[hbm4b:s3+s2] =	stream.indirect_vreg.scatter [tilespmem:s0], [sflag:$0x1], $0x80, v4, vm0, $0xb8;
	[tilespmem:$0x10100] =	vst v63  }
0x7e: {  	v3 =	vperm.xlane v3, v2  }
0x7f: {  	[hbm4b:s4+s2] =	stream.indirect_vreg.scatter [tilespmem:s19], [sflag:$0x1], $0x80, v4, vm0, $0xb8;
	[tilespmem:$0x10100] =	vst v63  }
0x80: {  	v3 =	vadd.s32 v1, v3  }
0x81: {  	[hbm4b:s5+s2] =	stream.indirect_vreg.scatter [tilespmem:s20], [sflag:$0x1], $0x80, v4, vm0, $0xb8;
	[tilespmem:$0x10100] =	vst v63  }
0x82: {  	_ = 	snop  }
0x83: {  	[hbm4b:s6+s2] =	stream.indirect_vreg.scatter [tilespmem:s21], [sflag:$0x1], $0x80, v4, vm0, $0xb8;
	[tilespmem:$0x10100] =	vst v63  }
0x84: {  	_ = 	snop  }
0x85: {  	[hbm4b:s3+s2] =	stream.indirect_vreg.scatter [tilespmem:s22], [sflag:$0x1], $0x80, v3, vm0, $0xb8;
	[tilespmem:$0x10100] =	vst v63  }
0x86: {  	_ = 	snop  }
0x87: {  	[hbm4b:s4+s2] =	stream.indirect_vreg.scatter [tilespmem:s23], [sflag:$0x1], $0x80, v3, vm0, $0xb8;
	[tilespmem:$0x10100] =	vst v63  }
0x88: {  	_ = 	snop  }
0x89: {  	[hbm4b:s5+s2] =	stream.indirect_vreg.scatter [tilespmem:s24], [sflag:$0x1], $0x80, v3, vm0, $0xb8;
	[tilespmem:$0x10100] =	vst v63  }
0x8a: {  	_ = 	snop  }
0x8b: {  	[hbm4b:s6+s2] =	stream.indirect_vreg.scatter [tilespmem:s25], [sflag:$0x1], $0x80, v3, vm0, $0xb8;
	[tilespmem:$0x10100] =	vst v63  }
0x8c: {  	v3 =	vld [tilespmem:$0x90];
	_ =	sdelay $0x4  }
0x8d: {  	v61 =	vshll.u32 v3, $0x3  }
0x8e: {  	v3 =	vand.u32 $0x7, v3;
	v4 =	vand.u32 $0xFFFFFFC0, v61  }
0x8f: {  	v3 =	vor.u32 v3, v4  }
0x90: {  	v4 =	vperm.xlane v3, v0;
	_ =	sdelay $0x1  }
0x91: {  	v4 =	vadd.s32 v1, v4;
	_ =	sdelay $0x4  }
0x92: {  	[hbm4b:s3+s2] =	stream.indirect_vreg.scatter [tilespmem:s26], [sflag:$0x1], $0x80, v4, vm0, $0xb8;
	[tilespmem:$0x10100] =	vst v63  }
0x93: {  	v3 =	vperm.xlane v3, v2  }
0x94: {  	[hbm4b:s4+s2] =	stream.indirect_vreg.scatter [tilespmem:s28], [sflag:$0x1], $0x80, v4, vm0, $0xb8;
	[tilespmem:$0x10100] =	vst v63  }
0x95: {  	v3 =	vadd.s32 v1, v3  }
0x96: {  	[hbm4b:s5+s2] =	stream.indirect_vreg.scatter [tilespmem:s29], [sflag:$0x1], $0x80, v4, vm0, $0xb8;
	[tilespmem:$0x10100] =	vst v63  }
0x97: {  	_ = 	snop  }
0x98: {  	[hbm4b:s6+s2] =	stream.indirect_vreg.scatter [tilespmem:s30], [sflag:$0x1], $0x80, v4, vm0, $0xb8;
	[tilespmem:$0x10100] =	vst v63  }
0x99: {  	_ = 	snop  }
0x9a: {  	[hbm4b:s3+s2] =	stream.indirect_vreg.scatter [tilespmem:s31], [sflag:$0x1], $0x80, v3, vm0, $0xb8;
	[tilespmem:$0x10100] =	vst v63  }
0x9b: {  	s20 =	simm.s32 $0x6900  }
0x9c: {  	[hbm4b:s4+s2] =	stream.indirect_vreg.scatter [tilespmem:s20], [sflag:$0x1], $0x80, v3, vm0, $0xb8;
	[tilespmem:$0x10100] =	vst v63  }
0x9d: {  	s19 =	simm.s32 $0x7100  }
0x9e: {  	[hbm4b:s5+s2] =	stream.indirect_vreg.scatter [tilespmem:s19], [sflag:$0x1], $0x80, v3, vm0, $0xb8;
	[tilespmem:$0x10100] =	vst v63  }
0x9f: {  	_ = 	snop  }
0xa0: {  	[hbm4b:s6+s2] =	stream.indirect_vreg.scatter [tilespmem:s10], [sflag:$0x1], $0x80, v3, vm0, $0xb8;
	[tilespmem:$0x10100] =	vst v63  }
0xa1: {  	v3 =	vld [tilespmem:$0xA0];
	_ =	sdelay $0x4  }
0xa2: {  	v62 =	vshll.u32 v3, $0x3  }
0xa3: {  	v3 =	vand.u32 $0x7, v3;
	v4 =	vand.u32 $0xFFFFFFC0, v62  }
0xa4: {  	v3 =	vor.u32 v3, v4  }
0xa5: {  	v4 =	vperm.xlane v3, v0;
	_ =	sdelay $0x1  }
0xa6: {  	v4 =	vadd.s32 v1, v4;
	_ =	sdelay $0x4  }
0xa7: {  	[hbm4b:s3+s2] =	stream.indirect_vreg.scatter [tilespmem:s11], [sflag:$0x1], $0x80, v4, vm0, $0xb8;
	[tilespmem:$0x10100] =	vst v63  }
0xa8: {  	v3 =	vperm.xlane v3, v2  }
0xa9: {  	[hbm4b:s4+s2] =	stream.indirect_vreg.scatter [tilespmem:s12], [sflag:$0x1], $0x80, v4, vm0, $0xb8;
	[tilespmem:$0x10100] =	vst v63  }
0xaa: {  	v3 =	vadd.s32 v1, v3  }
0xab: {  	[hbm4b:s5+s2] =	stream.indirect_vreg.scatter [tilespmem:s13], [sflag:$0x1], $0x80, v4, vm0, $0xb8;
	[tilespmem:$0x10100] =	vst v63  }
0xac: {  	_ = 	snop  }
0xad: {  	[hbm4b:s6+s2] =	stream.indirect_vreg.scatter [tilespmem:s14], [sflag:$0x1], $0x80, v4, vm0, $0xb8;
	[tilespmem:$0x10100] =	vst v63  }
0xae: {  	_ = 	snop  }
0xaf: {  	[hbm4b:s3+s2] =	stream.indirect_vreg.scatter [tilespmem:s15], [sflag:$0x1], $0x80, v3, vm0, $0xb8;
	[tilespmem:$0x10100] =	vst v63  }
0xb0: {  	_ = 	snop  }
0xb1: {  	[hbm4b:s4+s2] =	stream.indirect_vreg.scatter [tilespmem:s16], [sflag:$0x1], $0x80, v3, vm0, $0xb8;
	[tilespmem:$0x10100] =	vst v63  }
0xb2: {  	_ = 	snop  }
0xb3: {  	[hbm4b:s5+s2] =	stream.indirect_vreg.scatter [tilespmem:s17], [sflag:$0x1], $0x80, v3, vm0, $0xb8;
	[tilespmem:$0x10100] =	vst v63  }
0xb4: {  	_ = 	snop  }
0xb5: {  	[hbm4b:s6+s2] =	stream.indirect_vreg.scatter [tilespmem:s9], [sflag:$0x1], $0x80, v3, vm0, $0xb8;
	[tilespmem:$0x10100] =	vst v63  }
0xb6: {  	v3 =	vld [tilespmem:$0xB0];
	_ =	sdelay $0x4  }
0xb7: {  	v63 =	vshll.u32 v3, $0x3  }
0xb8: {  	v3 =	vand.u32 $0x7, v3;
	v4 =	vand.u32 $0xFFFFFFC0, v63  }
0xb9: {  	v3 =	vor.u32 v3, v4  }
0xba: {  	v4 =	vperm.xlane v3, v0;
	_ =	sdelay $0x1  }
0xbb: {  	v4 =	vadd.s32 v1, v4;
	_ =	sdelay $0x3  }
0xbc: {  	s20 =	simm.s32 $0xC100  }
0xbd: {  	[hbm4b:s3+s2] =	stream.indirect_vreg.scatter [tilespmem:s20], [sflag:$0x1], $0x80, v4, vm0, $0xb8;
	[tilespmem:$0x10100] =	vst v63  }
0xbe: {  	s9 =	simm.s32 $0xC900;
	v3 =	vperm.xlane v3, v2  }
0xbf: {  	[hbm4b:s4+s2] =	stream.indirect_vreg.scatter [tilespmem:s9], [sflag:$0x1], $0x80, v4, vm0, $0xb8;
	[tilespmem:$0x10100] =	vst v63  }
0xc0: {  	s19 =	simm.s32 $0xD100;
	v3 =	vadd.s32 v1, v3  }
0xc1: {  	[hbm4b:s5+s2] =	stream.indirect_vreg.scatter [tilespmem:s19], [sflag:$0x1], $0x80, v4, vm0, $0xb8;
	[tilespmem:$0x10100] =	vst v63  }
0xc2: {  	s20 =	simm.s32 $0xD900  }
0xc3: {  	[hbm4b:s6+s2] =	stream.indirect_vreg.scatter [tilespmem:s20], [sflag:$0x1], $0x80, v4, vm0, $0xb8;
	[tilespmem:$0x10100] =	vst v63  }
0xc4: {  	s9 =	simm.s32 $0xE100  }
0xc5: {  	[hbm4b:s3+s2] =	stream.indirect_vreg.scatter [tilespmem:s9], [sflag:$0x1], $0x80, v3, vm0, $0xb8;
	[tilespmem:$0x10100] =	vst v63  }
0xc6: {  	s19 =	simm.s32 $0xE900  }
0xc7: {  	[hbm4b:s4+s2] =	stream.indirect_vreg.scatter [tilespmem:s19], [sflag:$0x1], $0x80, v3, vm0, $0xb8;
	[tilespmem:$0x10100] =	vst v63  }
0xc8: {  	p0 =	sne.s32 s7, $0x1;
	s20 =	simm.s32 $0xF100  }
0xc9: {  	[hbm4b:s5+s2] =	stream.indirect_vreg.scatter [tilespmem:s20], [sflag:$0x1], $0x80, v3, vm0, $0xb8;
	[tilespmem:$0x10100] =	vst v63  }
.Ltmp0:
0xca: {  	_ = 	snop;
	(pc) =	sbr.rel @p0 .LBB2_1-.Ltmp0, $4  }
0xcb: {  	[hbm4b:s6+s2] =	stream.indirect_vreg.scatter [tilespmem:s1], [sflag:$0x1], $0x80, v3, vm0, $0xb8;
	[tilespmem:$0x10100] =	vst v63  }
0xcc: {  	_ =	swait.ge [sflag:s18], $0x10000  }
0xcd: {  	[sflag:s18] =	ssyncset.done $0x0  }
0xce: {  	s7 =	sadd.s32 $0xFFFFFFFF, s7;
	[sflag:s18] =	ssyncadd.s32 $0xFFFF0000  }
0xcf: {  	_ =	sfence.sel $0x180000  }
0xd0: {  	[bflag:$0x0] =	sbarrier.arrive $0xFFFF  }
0xd1: {  	_ =	strace $0x90000047  }
0xd2: {  	s0 =	stileid.u32;
	[bflag:$0x2] =	sbarrier.arrive $0xFFFF  }
0xd3: {  	p0 =	sne.s32 s0, $0x0;
	s0 =	rddreg [dreg:$0x2]  }
0xd4: {  	s0 =	sadd.s32 @!p0 $0x100000, s0  }
0xd5: {  	[sflag:s0] =	ssyncadd.tile.s32 @!p0 $0x1;
	_ =	shalt  }
.Lfunc_end2:
_tile_overlayer_lowered:
.L_overlay_start_2:
0xd6: {  	(tag) =	ssettag $0x2  }
0xd7: {  	s0 =	rddreg [dreg:$0x0];
	s2 =	stileid.u32  }
0xd8: {  	s1 =	rddreg [dreg:$0x1];
	p0 =	sne.s32 s2, $0x0  }
0xd9: {  	s3 =	rddreg [dreg:$0x2];
	[bflag:$0x3] =	sbarrier.arrive $0xFFFF;
	s2 =	simm.s32 @!p0 $0x1C02  }
0xda: {  	[timem:s3], [sflag:s2] =	dma.local @!p0 [hbm:s0], s1  }
0xdb: {  	s0 =	simm.s32 @!p0 $0x2  }
0xdc: {  	_ =	swait.ge @!p0 [sflag:s0], s1  }
0xdd: {  	s1 =	ssub.s32 @!p0 $0x0, s1;
	[sflag:s0] =	ssyncset.done @!p0 $0x0  }
0xde: {  	[sflag:s0] =	ssyncadd.s32 @!p0 s1  }
0xdf: {  	[bflag:$0x3] =	sbarrier.arrive $0xFFFF  }
0xe0: {  	_ =	shalt  }

</sc_bundles>
